<compile_context>
chip_gen: v7x
topology: tpu7x:2x2x1
jax: 0.10.2.dev20260603
libtpu: 0.0.44.dev20260713+nightly
codegen_flags: <defaults>
</compile_context>

<pallas_src>
import functools

import jax
import jax.numpy as jnp
from jax.experimental import pallas as pl

_BN_EPS = 1e-5
_B, _N = 8, 4096
_K = 32
_NEG = -1e30



def _fps_body(m, pos_ref, out_ref):
    px = pos_ref[:, 0, :]
    py = pos_ref[:, 1, :]
    pz = pos_ref[:, 2, :]
    b, n = px.shape
    iota = jax.lax.broadcasted_iota(jnp.int32, (b, n), 1)
    iota_m = jax.lax.broadcasted_iota(jnp.int32, (b, m), 1)

    dist0 = ((px - px[:, 0:1]) ** 2 + (py - py[:, 0:1]) ** 2
             + (pz - pz[:, 0:1]) ** 2)
    idxs0 = jnp.zeros((b, m), jnp.int32)

    def body(i, carry):
        dist, idxs = carry
        mx = jnp.max(dist, axis=1, keepdims=True)
        nxt = jnp.min(jnp.where(dist == mx, iota, n), axis=1)
        onehot = iota == nxt[:, None]
        nx = jnp.sum(jnp.where(onehot, px, 0.0), axis=1)
        ny = jnp.sum(jnp.where(onehot, py, 0.0), axis=1)
        nz = jnp.sum(jnp.where(onehot, pz, 0.0), axis=1)
        d = ((px - nx[:, None]) ** 2 + (py - ny[:, None]) ** 2
             + (pz - nz[:, None]) ** 2)
        dist = jnp.minimum(dist, d)
        idxs = jnp.where(iota_m == i, nxt[:, None], idxs)
        return dist, idxs

    _, idxs = jax.lax.fori_loop(1, m, body, (dist0, idxs0))
    out_ref[...] = idxs


def _fps(pos3, m):
    b = pos3.shape[0]
    return pl.pallas_call(
        functools.partial(_fps_body, m),
        out_shape=jax.ShapeDtypeStruct((b, m), jnp.int32),
    )(pos3)



def _layers(x, refs):
    for (w_r, b_r, s_r, be_r) in refs:
        x = jnp.dot(x, w_r[...], preferred_element_type=jnp.float32)
        x = jax.nn.relu(x + b_r[...])
        x = x * s_r[...] + be_r[...]
    return x


def _prep_params(layers):
    out = []
    for l in layers:
        s = l["gamma"] / jnp.sqrt(1.0 + _BN_EPS)
        out.extend([l["W"], l["b"][None, :], s[None, :], l["beta"][None, :]])
    return out


def _full(a):
    return pl.BlockSpec(a.shape, lambda *_: (0,) * a.ndim)



def _sa_body(k, *refs):
    x_ref, madd_ref = refs[0], refs[1]
    out_ref = refs[-1]
    prm = [tuple(refs[2 + 4 * j: 6 + 4 * j]) for j in range(2)]
    x = _layers(x_ref[...], prm)
    mt = madd_ref.shape[0]
    msg = x.reshape(mt, k, x.shape[-1]) + madd_ref[...][:, :, None]
    out_ref[...] = jnp.max(msg, axis=1)


def _sa_mlp_max(xcat, madd, layers, mt):
    bm, k = madd.shape
    cin = xcat.shape[-1]
    cout = layers[-1]["W"].shape[-1]
    prm = _prep_params(layers)
    grid = (bm // mt,)
    in_specs = [
        pl.BlockSpec((mt * k, cin), lambda i: (i, 0)),
        pl.BlockSpec((mt, k), lambda i: (i, 0)),
    ] + [_full(a) for a in prm]
    return pl.pallas_call(
        functools.partial(_sa_body, k),
        grid=grid,
        in_specs=in_specs,
        out_specs=pl.BlockSpec((mt, cout), lambda i: (i, 0)),
        out_shape=jax.ShapeDtypeStruct((bm, cout), jnp.float32),
    )(xcat, madd, *prm)



def _sa3_body(*refs):
    x_ref, out_ref = refs[0], refs[-1]
    prm = [tuple(refs[1 + 4 * j: 5 + 4 * j]) for j in range(2)]
    h = _layers(x_ref[0], prm)
    out_ref[0] = jnp.max(h, axis=0, keepdims=True)


def _sa3_globalmax(x, layers):
    b, n, c = x.shape
    cout = layers[-1]["W"].shape[-1]
    prm = _prep_params(layers)
    in_specs = [pl.BlockSpec((1, n, c), lambda i: (i, 0, 0))]
    in_specs += [_full(a) for a in prm]
    g = pl.pallas_call(
        _sa3_body,
        grid=(b,),
        in_specs=in_specs,
        out_specs=pl.BlockSpec((1, 1, cout), lambda i: (i, 0, 0)),
        out_shape=jax.ShapeDtypeStruct((b, 1, cout), jnp.float32),
    )(x, *prm)
    return g.reshape(b, cout)



def _fp3_body(*refs):
    g_ref, sk_ref, out_ref = refs[0], refs[1], refs[-1]
    prm = [tuple(refs[2 + 4 * j: 6 + 4 * j]) for j in range(2)]
    x = jnp.concatenate([g_ref[...], sk_ref[...]], axis=1)
    out_ref[...] = _layers(x, prm)


def _fp3(gb, skip, layers):
    r = gb.shape[0]
    cout = layers[-1]["W"].shape[-1]
    prm = _prep_params(layers)
    return pl.pallas_call(
        _fp3_body,
        in_specs=[_full(gb), _full(skip)] + [_full(a) for a in prm],
        out_specs=pl.BlockSpec((r, cout), lambda *_: (0, 0)),
        out_shape=jax.ShapeDtypeStruct((r, cout), jnp.float32),
    )(gb, skip, *prm)



def _interp3(sel_ref, w_ref, c):
    w = w_ref[...]
    sel = sel_ref[...]
    num = (w[:, 0:1] * sel[:, :c] + w[:, 1:2] * sel[:, c:2 * c]
           + w[:, 2:3] * sel[:, 2 * c:])
    den = w[:, 0:1] + w[:, 1:2] + w[:, 2:3]
    return num / den


def _fp2_body(c, *refs):
    sel_ref, w_ref, sk_ref, out_ref = refs[0], refs[1], refs[2], refs[-1]
    prm = [tuple(refs[3 + 4 * j: 7 + 4 * j]) for j in range(2)]
    y = _interp3(sel_ref, w_ref, c)
    x = jnp.concatenate([y, sk_ref[...]], axis=1)
    out_ref[...] = _layers(x, prm)


def _fp2(sel, w, skip, layers, t):
    r, c3 = sel.shape
    c = c3 // 3
    cout = layers[-1]["W"].shape[-1]
    prm = _prep_params(layers)
    in_specs = [
        pl.BlockSpec((t, c3), lambda i: (i, 0)),
        pl.BlockSpec((t, 3), lambda i: (i, 0)),
        pl.BlockSpec((t, skip.shape[-1]), lambda i: (i, 0)),
    ] + [_full(a) for a in prm]
    return pl.pallas_call(
        functools.partial(_fp2_body, c),
        grid=(r // t,),
        in_specs=in_specs,
        out_specs=pl.BlockSpec((t, cout), lambda i: (i, 0)),
        out_shape=jax.ShapeDtypeStruct((r, cout), jnp.float32),
    )(sel, w, skip, *prm)



def _fp1_body(c, *refs):
    sel_ref, w_ref, sk_ref = refs[0], refs[1], refs[2]
    prm = [tuple(refs[3 + 4 * j: 7 + 4 * j]) for j in range(2)]
    w1_ref, b1_ref, w2_ref, b2_ref = refs[11:15]
    sc_ref, pr_ref = refs[-2], refs[-1]
    y = _interp3(sel_ref, w_ref, c)
    x = jnp.concatenate([y, sk_ref[...]], axis=1)
    x = _layers(x, prm)
    h = jax.nn.relu(jnp.dot(x, w1_ref[...], preferred_element_type=jnp.float32)
                    + b1_ref[...])
    s = jnp.dot(h, w2_ref[...], preferred_element_type=jnp.float32) + b2_ref[...]
    sc_ref[...] = s
    e = jnp.exp(s - jnp.max(s, axis=1, keepdims=True))
    pr_ref[...] = e / jnp.sum(e, axis=1, keepdims=True)


def _fp1_head(sel, w, skip, layers, lin1, lin2, t):
    r, c3 = sel.shape
    c = c3 // 3
    prm = _prep_params(layers)
    head = [lin1["W"], lin1["b"][None, :], lin2["W"], lin2["b"][None, :]]
    ncls = lin2["W"].shape[-1]
    in_specs = [
        pl.BlockSpec((t, c3), lambda i: (i, 0)),
        pl.BlockSpec((t, 3), lambda i: (i, 0)),
        pl.BlockSpec((t, skip.shape[-1]), lambda i: (i, 0)),
    ] + [_full(a) for a in prm + head]
    return pl.pallas_call(
        functools.partial(_fp1_body, c),
        grid=(r // t,),
        in_specs=in_specs,
        out_specs=[pl.BlockSpec((t, ncls), lambda i: (i, 0))] * 2,
        out_shape=[jax.ShapeDtypeStruct((r, ncls), jnp.float32)] * 2,
    )(sel, w, skip, *prm, *head)



def _ball_query(pos_s, pos, r, k):
    d2 = jnp.sum((pos_s[:, :, None, :] - pos[:, None, :, :]) ** 2, -1)
    score = jnp.where(d2 < r * r, -d2, -jnp.inf)
    top_score, nbr = jax.lax.top_k(score, k)
    valid = top_score > -jnp.inf
    nbr = jnp.where(valid, nbr, 0)
    return nbr, valid


def _gather_rows(x, idx):
    b = x.shape[0]
    flat = idx.reshape(b, -1)
    return jnp.take_along_axis(x, flat[:, :, None], axis=1)


def _sa_stage(x, pos, pos3, ratio, r, layers, mt):
    b, n, _ = pos.shape
    m = int(ratio * n)
    idx = _fps(pos3, m)
    pos_s = _gather_rows(pos, idx).reshape(b, m, 3)
    nbr, valid = _ball_query(pos_s, pos, r, _K)
    cin = x.shape[-1]
    x_j = _gather_rows(x, nbr).reshape(b, m, _K, cin)
    pos_j = _gather_rows(pos, nbr).reshape(b, m, _K, 3)
    xcat = jnp.concatenate([x_j, pos_j - pos_s[:, :, None, :]], -1)
    madd = jnp.where(valid, 0.0, _NEG).astype(jnp.float32)
    out = _sa_mlp_max(xcat.reshape(b * m * _K, cin + 3),
                      madd.reshape(b * m, _K), layers, mt)
    return out.reshape(b, m, -1), pos_s


def _knn3(pos_dst, pos_src):
    d2 = jnp.sum((pos_dst[:, :, None, :] - pos_src[:, None, :, :]) ** 2, -1)
    neg_d, idx = jax.lax.top_k(-d2, 3)
    w = 1.0 / jnp.clip(-neg_d, 1e-16)
    return idx, w


def kernel(cloud_data, params):
    b = cloud_data.shape[0]
    n = cloud_data.shape[2]
    pos3 = cloud_data[:, :3, :]
    xyz = jnp.transpose(pos3, (0, 2, 1))
    feat = jnp.transpose(cloud_data[:, 2:9, :], (0, 2, 1))

    x1, pos1 = _sa_stage(feat, xyz, pos3, 0.25, 0.2, params["sa1"], 512)
    pos1_t = jnp.transpose(pos1, (0, 2, 1))
    x2, pos2 = _sa_stage(x1, pos1, pos1_t, 0.25, 0.4, params["sa2"], 512)
    m1, m2 = pos1.shape[1], pos2.shape[1]

    g = _sa3_globalmax(jnp.concatenate([x2, pos2], -1), params["sa3"])

    gb = jnp.broadcast_to(g[:, None, :], (b, m2, g.shape[-1]))
    f3 = _fp3(gb.reshape(b * m2, -1), x2.reshape(b * m2, -1), params["fp3"])

    idx2, w2 = _knn3(pos1, pos2)
    sel2 = _gather_rows(f3.reshape(b, m2, -1), idx2).reshape(b * m1, -1)
    f2 = _fp2(sel2, w2.reshape(b * m1, 3), x1.reshape(b * m1, -1),
              params["fp2"], 1024)

    idx1, w1 = _knn3(xyz, pos1)
    sel1 = _gather_rows(f2.reshape(b, m1, -1), idx1).reshape(b * n, -1)
    scores, proba = _fp1_head(sel1, w1.reshape(b * n, 3),
                              feat.reshape(b * n, -1), params["fp1"],
                              params["lin1"], params["lin2"], 2048)

    ncls = scores.shape[-1]
    scores = jnp.transpose(scores.reshape(b, n, ncls), (0, 2, 1))
    proba = jnp.transpose(proba.reshape(b, n, ncls), (0, 2, 1))
    return scores, proba

# --- scband reference (transcript-rebuilt; emitter-appended) ---
"""Pipeline reference for scband-point-net2-14577119002853 (READ-ONLY COPY).

The authoritative reference and input builder live on the scoring server;
editing this copy changes nothing except your own understanding.
"""

import jax, jax.numpy as jnp
import numpy as np

B, N, NCLASS = 8, 4096, 4
RATIO = 0.25
RR = [0.2, 0.4]
K_RADIUS = 32
N_INPUT_FEATS = 7  # args.n_input_feats (9) - 2
BN_EPS = 1e-5


def _mlp_params(key, channels):
    layers = []
    for i in range(1, len(channels)):
        key, k1 = jax.random.split(key)
        W = jax.random.normal(k1, (channels[i - 1], channels[i]), jnp.float32) / np.sqrt(channels[i - 1])
        layers.append({"W": W, "b": jnp.zeros((channels[i],), jnp.float32),
                       "gamma": jnp.ones((channels[i],), jnp.float32),
                       "beta": jnp.zeros((channels[i],), jnp.float32)})
    return layers


def setup_inputs(seed: int = 0):
    key = jax.random.key(seed)
    kd, k1, k2, k3, k4, k5, k6, k7, k8 = jax.random.split(key, 9)
    cloud_data = jax.random.normal(kd, (B, 9, N), jnp.float32)
    params = {
        "sa1": _mlp_params(k1, [10, 32, 32]),
        "sa2": _mlp_params(k2, [35, 64, 64]),
        "sa3": _mlp_params(k3, [67, 64, 128]),
        "fp3": _mlp_params(k4, [192, 64, 64]),
        "fp2": _mlp_params(k5, [96, 64, 32]),
        "fp1": _mlp_params(k6, [39, 32, 32]),
        "lin1": {"W": jax.random.normal(k7, (32, 32), jnp.float32) / np.sqrt(32), "b": jnp.zeros((32,), jnp.float32)},
        "lin2": {"W": jax.random.normal(k8, (32, NCLASS), jnp.float32) / np.sqrt(32), "b": jnp.zeros((NCLASS,), jnp.float32)},
    }
    return {"cloud_data": cloud_data, "params": params}


def _apply_mlp(layers, x):
    # Seq(Linear, ReLU, BatchNorm1d) blocks; BN in eval mode with fresh running stats (mean=0, var=1)
    for l in layers:
        x = x @ l["W"] + l["b"]
        x = jax.nn.relu(x)
        x = l["gamma"] * x / jnp.sqrt(1.0 + BN_EPS) + l["beta"]
    return x


def _fps(pos, M):
    # farthest point sampling per cloud, deterministic start at index 0
    pos = jax.lax.stop_gradient(pos)
    b, n, _ = pos.shape
    dist0 = jnp.sum((pos - pos[:, :1, :]) ** 2, -1)
    idxs = jnp.zeros((b, M), jnp.int32)

    def body(i, carry):
        dist, idxs = carry
        nxt = jnp.argmax(dist, axis=1).astype(jnp.int32)
        newp = jnp.take_along_axis(pos, nxt[:, None, None], axis=1)
        dist = jnp.minimum(dist, jnp.sum((pos - newp) ** 2, -1))
        return (dist, idxs.at[:, i].set(nxt))

    _, idxs = jax.lax.fori_loop(1, M, body, (dist0, idxs))
    return idxs


def _gather(x, idx):
    return jnp.take_along_axis(x, idx[:, :, None], axis=1)


def _sa_module(x, pos, ratio, r, K, layers):
    b, n, _ = pos.shape
    M = int(ratio * n)
    idx = _fps(pos, M)
    pos_s = _gather(pos, idx)
    d2 = jnp.sum((pos_s[:, :, None, :] - pos[:, None, :, :]) ** 2, -1)  # (B,M,n)
    score = jnp.where(d2 < r * r, -d2, -jnp.inf)
    top_score, nbr = jax.lax.top_k(score, K)  # K nearest within radius r
    valid = top_score > -jnp.inf
    nbr = jnp.where(valid, nbr, 0)
    x_j = jnp.take_along_axis(x, nbr.reshape(b, -1)[:, :, None], axis=1).reshape(b, M, K, x.shape[-1])
    pos_j = jnp.take_along_axis(pos, nbr.reshape(b, -1)[:, :, None], axis=1).reshape(b, M, K, 3)
    msg = _apply_mlp(layers, jnp.concatenate([x_j, pos_j - pos_s[:, :, None, :]], -1))
    msg = jnp.where(valid[..., None], msg, -jnp.inf)
    out = jnp.max(msg, axis=2)  # PointConv max aggregation (self always within radius)
    out = jnp.where(jnp.isfinite(out), out, 0.0)
    return out, pos_s


def _knn_interpolate(x, pos, pos_skip, k):
    b, nf, _ = pos_skip.shape
    d2 = jnp.sum((pos_skip[:, :, None, :] - pos[:, None, :, :]) ** 2, -1)
    k = min(k, pos.shape[1])
    neg_d, idx = jax.lax.top_k(-d2, k)
    w = 1.0 / jnp.clip(-neg_d, 1e-16)
    sel = jnp.take_along_axis(x, idx.reshape(b, -1)[:, :, None], axis=1).reshape(b, nf, k, x.shape[-1])
    return jnp.sum(sel * w[..., None], axis=2) / jnp.sum(w, axis=2, keepdims=True)


def _fp_module(x, pos, x_skip, pos_skip, k, layers):
    y = _knn_interpolate(x, pos, pos_skip, k)
    if x_skip is not None:
        y = jnp.concatenate([y, x_skip], axis=-1)
    return _apply_mlp(layers, y)


def _forward(cloud_data, params):
    xyz = jnp.transpose(cloud_data[:, :3, :], (0, 2, 1))                      # (B,N,3)
    feat = jnp.transpose(cloud_data[:, 2:2 + N_INPUT_FEATS, :], (0, 2, 1))    # (B,N,7)
    x1, pos1 = _sa_module(feat, xyz, RATIO, RR[0], K_RADIUS, params["sa1"])
    x2, pos2 = _sa_module(x1, pos1, RATIO, RR[1], K_RADIUS, params["sa2"])
    h3 = _apply_mlp(params["sa3"], jnp.concatenate([x2, pos2], -1))
    g = jnp.max(h3, axis=1)                                                   # global_max_pool -> (B,128)
    pos_g = jnp.zeros((g.shape[0], 1, 3), jnp.float32)
    f3 = _fp_module(g[:, None, :], pos_g, x2, pos2, 1, params["fp3"])
    f2 = _fp_module(f3, pos2, x1, pos1, 3, params["fp2"])
    f1 = _fp_module(f2, pos1, feat, xyz, 3, params["fp1"])
    h = jax.nn.relu(f1 @ params["lin1"]["W"] + params["lin1"]["b"])           # dropout = identity (eval)
    scores = h @ params["lin2"]["W"] + params["lin2"]["b"]                    # (B,N,C)
    proba = jax.nn.softmax(scores, axis=-1)
    return (jnp.transpose(scores, (0, 2, 1)), jnp.transpose(proba, (0, 2, 1)))  # (B,C,N)


def reference(cloud_data, params):
    return _forward(cloud_data, params)

if __name__ == "__main__":
    import jax
    _d = setup_inputs()
    print(jax.jit(kernel)(*tuple(_d.values())))

</pallas_src>

<mosaic_0001>
module attributes {stable_mosaic.version = 14 : i64} {
  func.func @_sa_body(%arg0: i32, %arg1: memref<16384x10xf32, #tpu.memory_space<vmem>>, %arg2: memref<512x32xf32, #tpu.memory_space<vmem>>, %arg3: memref<10x32xf32, #tpu.memory_space<vmem>>, %arg4: memref<1x32xf32, #tpu.memory_space<vmem>>, %arg5: memref<1x32xf32, #tpu.memory_space<vmem>>, %arg6: memref<1x32xf32, #tpu.memory_space<vmem>>, %arg7: memref<32x32xf32, #tpu.memory_space<vmem>>, %arg8: memref<1x32xf32, #tpu.memory_space<vmem>>, %arg9: memref<1x32xf32, #tpu.memory_space<vmem>>, %arg10: memref<1x32xf32, #tpu.memory_space<vmem>>, %arg11: memref<512x32xf32, #tpu.memory_space<vmem>>) attributes {dimension_semantics = [#tpu.dimension_semantics<arbitrary>], iteration_bounds = array<i64: 16>, scalar_prefetch = 0 : i64, scratch_operands = 0 : i64, tpu.core_type = #tpu.core_type<tc>, window_params = [{transform_indices = @transform_0, window_bounds = array<i64: 16384, 10>}, {transform_indices = @transform_1, window_bounds = array<i64: 512, 32>}, {pipeline_mode = #tpu.pipeline_mode<synchronous>, transform_indices = @transform_2, window_bounds = array<i64: 10, 32>}, {pipeline_mode = #tpu.pipeline_mode<synchronous>, transform_indices = @transform_3, window_bounds = array<i64: 1, 32>}, {pipeline_mode = #tpu.pipeline_mode<synchronous>, transform_indices = @transform_4, window_bounds = array<i64: 1, 32>}, {pipeline_mode = #tpu.pipeline_mode<synchronous>, transform_indices = @transform_5, window_bounds = array<i64: 1, 32>}, {pipeline_mode = #tpu.pipeline_mode<synchronous>, transform_indices = @transform_6, window_bounds = array<i64: 32, 32>}, {pipeline_mode = #tpu.pipeline_mode<synchronous>, transform_indices = @transform_7, window_bounds = array<i64: 1, 32>}, {pipeline_mode = #tpu.pipeline_mode<synchronous>, transform_indices = @transform_8, window_bounds = array<i64: 1, 32>}, {pipeline_mode = #tpu.pipeline_mode<synchronous>, transform_indices = @transform_9, window_bounds = array<i64: 1, 32>}, {transform_indices = @transform_10, window_bounds = array<i64: 512, 32>}]} {
    %get3A = arith.constant 0 : index
    %get3A_0 = arith.constant 0 : index
    %get3A_1 = vector.load %arg1[%get3A, %get3A_0] : memref<16384x10xf32, #tpu.memory_space<vmem>>, vector<16384x10xf32>
    %get3A_2 = arith.constant 0 : index
    %get3A_3 = arith.constant 0 : index
    %get3A_4 = vector.load %arg3[%get3A_2, %get3A_3] : memref<10x32xf32, #tpu.memory_space<vmem>>, vector<10x32xf32>
    %dot_general3A = arith.constant dense<0.000000e+00> : vector<16384x32xf32>
    %dot_general3A_5 = tpu.matmul %get3A_1, %get3A_4, %dot_general3A {dimension_numbers = #tpu.dot_dimension_numbers<[1], [0], [0], [1], [0, 0, 1, 1], [], []>, transpose_lhs_hint = false} : vector<16384x10xf32>, vector<10x32xf32>, vector<16384x32xf32> -> vector<16384x32xf32>
    %get3A_6 = arith.constant 0 : index
    %get3A_7 = arith.constant 0 : index
    %get3A_8 = vector.load %arg4[%get3A_6, %get3A_7] : memref<1x32xf32, #tpu.memory_space<vmem>>, vector<1x32xf32>
    %add3A = vector.broadcast %get3A_8 : vector<1x32xf32> to vector<16384x32xf32>
    %add3A_9 = arith.addf %dot_general3A_5, %add3A : vector<16384x32xf32>
    %max3A = arith.constant 0.000000e+00 : f32
    %max3A_10 = vector.broadcast %max3A : f32 to vector<16384x32xf32>
    %max3A_11 = arith.maximumf %add3A_9, %max3A_10 : vector<16384x32xf32>
    %get3A_12 = arith.constant 0 : index
    %get3A_13 = arith.constant 0 : index
    %get3A_14 = vector.load %arg5[%get3A_12, %get3A_13] : memref<1x32xf32, #tpu.memory_space<vmem>>, vector<1x32xf32>
    %mul3A = vector.broadcast %get3A_14 : vector<1x32xf32> to vector<16384x32xf32>
    %mul3A_15 = arith.mulf %max3A_11, %mul3A : vector<16384x32xf32>
    %get3A_16 = arith.constant 0 : index
    %get3A_17 = arith.constant 0 : index
    %get3A_18 = vector.load %arg6[%get3A_16, %get3A_17] : memref<1x32xf32, #tpu.memory_space<vmem>>, vector<1x32xf32>
    %add3A_19 = vector.broadcast %get3A_18 : vector<1x32xf32> to vector<16384x32xf32>
    %add3A_20 = arith.addf %mul3A_15, %add3A_19 : vector<16384x32xf32>
    %get3A_21 = arith.constant 0 : index
    %get3A_22 = arith.constant 0 : index
    %get3A_23 = vector.load %arg7[%get3A_21, %get3A_22] : memref<32x32xf32, #tpu.memory_space<vmem>>, vector<32x32xf32>
    %dot_general3A_24 = arith.constant dense<0.000000e+00> : vector<16384x32xf32>
    %dot_general3A_25 = tpu.matmul %add3A_20, %get3A_23, %dot_general3A_24 {dimension_numbers = #tpu.dot_dimension_numbers<[1], [0], [0], [1], [0, 0, 1, 1], [], []>, transpose_lhs_hint = false} : vector<16384x32xf32>, vector<32x32xf32>, vector<16384x32xf32> -> vector<16384x32xf32>
    %get3A_26 = arith.constant 0 : index
    %get3A_27 = arith.constant 0 : index
    %get3A_28 = vector.load %arg8[%get3A_26, %get3A_27] : memref<1x32xf32, #tpu.memory_space<vmem>>, vector<1x32xf32>
    %add3A_29 = vector.broadcast %get3A_28 : vector<1x32xf32> to vector<16384x32xf32>
    %add3A_30 = arith.addf %dot_general3A_25, %add3A_29 : vector<16384x32xf32>
    %max3A_31 = arith.constant 0.000000e+00 : f32
    %max3A_32 = vector.broadcast %max3A_31 : f32 to vector<16384x32xf32>
    %max3A_33 = arith.maximumf %add3A_30, %max3A_32 : vector<16384x32xf32>
    %get3A_34 = arith.constant 0 : index
    %get3A_35 = arith.constant 0 : index
    %get3A_36 = vector.load %arg9[%get3A_34, %get3A_35] : memref<1x32xf32, #tpu.memory_space<vmem>>, vector<1x32xf32>
    %mul3A_37 = vector.broadcast %get3A_36 : vector<1x32xf32> to vector<16384x32xf32>
    %mul3A_38 = arith.mulf %max3A_33, %mul3A_37 : vector<16384x32xf32>
    %get3A_39 = arith.constant 0 : index
    %get3A_40 = arith.constant 0 : index
    %get3A_41 = vector.load %arg10[%get3A_39, %get3A_40] : memref<1x32xf32, #tpu.memory_space<vmem>>, vector<1x32xf32>
    %add3A_42 = vector.broadcast %get3A_41 : vector<1x32xf32> to vector<16384x32xf32>
    %add3A_43 = arith.addf %mul3A_38, %add3A_42 : vector<16384x32xf32>
    %reshape3A = vector.shape_cast %add3A_43 : vector<16384x32xf32> to vector<512x32x32xf32>
    %get3A_44 = arith.constant 0 : index
    %get3A_45 = arith.constant 0 : index
    %get3A_46 = vector.load %arg2[%get3A_44, %get3A_45] : memref<512x32xf32, #tpu.memory_space<vmem>>, vector<512x32xf32>
    %broadcast_in_dim3A = vector.shape_cast %get3A_46 : vector<512x32xf32> to vector<512x32x1xf32>
    %add3A_47 = vector.broadcast %broadcast_in_dim3A : vector<512x32x1xf32> to vector<512x32x32xf32>
    %add3A_48 = arith.addf %reshape3A, %add3A_47 : vector<512x32x32xf32>
    %reduce_max3A = arith.constant dense<0xFF800000> : vector<512x32xf32>
    %reduce_max3A_49 = vector.multi_reduction <maximumf>, %add3A_48, %reduce_max3A [1] : vector<512x32x32xf32> to vector<512x32xf32>
    %swap3A = arith.constant 0 : index
    %swap3A_50 = arith.constant 0 : index
    %swap3A_51 = vector.load %arg11[%swap3A, %swap3A_50] : memref<512x32xf32, #tpu.memory_space<vmem>>, vector<512x32xf32>
    tpu.vector_store %arg11[%swap3A, %swap3A_50], %reduce_max3A_49 {strides = array<i32>} : memref<512x32xf32, #tpu.memory_space<vmem>>, vector<512x32xf32>,
    return
  }
  func.func @transform_0(%arg0: i32) -> (i32, i32) {
    %c0_i32 = arith.constant 0 : i32
    %c0_i32_0 = arith.constant 0 : i32
    return %arg0, %c0_i32 : i32, i32
  }
  func.func @transform_1(%arg0: i32) -> (i32, i32) {
    %c0_i32 = arith.constant 0 : i32
    %c0_i32_0 = arith.constant 0 : i32
    return %arg0, %c0_i32 : i32, i32
  }
  func.func @transform_2(%arg0: i32) -> (i32, i32) {
    %c0_i32 = arith.constant 0 : i32
    %c0_i32_0 = arith.constant 0 : i32
    %c0_i32_1 = arith.constant 0 : i32
    return %c0_i32, %c0_i32_0 : i32, i32
  }
  func.func @transform_3(%arg0: i32) -> (i32, i32) {
    %c0_i32 = arith.constant 0 : i32
    %c0_i32_0 = arith.constant 0 : i32
    %c0_i32_1 = arith.constant 0 : i32
    return %c0_i32, %c0_i32_0 : i32, i32
  }
  func.func @transform_4(%arg0: i32) -> (i32, i32) {
    %c0_i32 = arith.constant 0 : i32
    %c0_i32_0 = arith.constant 0 : i32
    %c0_i32_1 = arith.constant 0 : i32
    return %c0_i32, %c0_i32_0 : i32, i32
  }
  func.func @transform_5(%arg0: i32) -> (i32, i32) {
    %c0_i32 = arith.constant 0 : i32
    %c0_i32_0 = arith.constant 0 : i32
    %c0_i32_1 = arith.constant 0 : i32
    return %c0_i32, %c0_i32_0 : i32, i32
  }
  func.func @transform_6(%arg0: i32) -> (i32, i32) {
    %c0_i32 = arith.constant 0 : i32
    %c0_i32_0 = arith.constant 0 : i32
    %c0_i32_1 = arith.constant 0 : i32
    return %c0_i32, %c0_i32_0 : i32, i32
  }
  func.func @transform_7(%arg0: i32) -> (i32, i32) {
    %c0_i32 = arith.constant 0 : i32
    %c0_i32_0 = arith.constant 0 : i32
    %c0_i32_1 = arith.constant 0 : i32
    return %c0_i32, %c0_i32_0 : i32, i32
  }
  func.func @transform_8(%arg0: i32) -> (i32, i32) {
    %c0_i32 = arith.constant 0 : i32
    %c0_i32_0 = arith.constant 0 : i32
    %c0_i32_1 = arith.constant 0 : i32
    return %c0_i32, %c0_i32_0 : i32, i32
  }
  func.func @transform_9(%arg0: i32) -> (i32, i32) {
    %c0_i32 = arith.constant 0 : i32
    %c0_i32_0 = arith.constant 0 : i32
    %c0_i32_1 = arith.constant 0 : i32
    return %c0_i32, %c0_i32_0 : i32, i32
  }
  func.func @transform_10(%arg0: i32) -> (i32, i32) {
    %c0_i32 = arith.constant 0 : i32
    %c0_i32_0 = arith.constant 0 : i32
    return %arg0, %c0_i32 : i32, i32
  }
}

module attributes {stable_mosaic.version = 14 : i64} {
  func.func @_sa_body(%arg0: i32, %arg1: memref<16384x35xf32, #tpu.memory_space<vmem>>, %arg2: memref<512x32xf32, #tpu.memory_space<vmem>>, %arg3: memref<35x64xf32, #tpu.memory_space<vmem>>, %arg4: memref<1x64xf32, #tpu.memory_space<vmem>>, %arg5: memref<1x64xf32, #tpu.memory_space<vmem>>, %arg6: memref<1x64xf32, #tpu.memory_space<vmem>>, %arg7: memref<64x64xf32, #tpu.memory_space<vmem>>, %arg8: memref<1x64xf32, #tpu.memory_space<vmem>>, %arg9: memref<1x64xf32, #tpu.memory_space<vmem>>, %arg10: memref<1x64xf32, #tpu.memory_space<vmem>>, %arg11: memref<512x64xf32, #tpu.memory_space<vmem>>) attributes {dimension_semantics = [#tpu.dimension_semantics<arbitrary>], iteration_bounds = array<i64: 4>, scalar_prefetch = 0 : i64, scratch_operands = 0 : i64, tpu.core_type = #tpu.core_type<tc>, window_params = [{transform_indices = @transform_0, window_bounds = array<i64: 16384, 35>}, {transform_indices = @transform_1, window_bounds = array<i64: 512, 32>}, {pipeline_mode = #tpu.pipeline_mode<synchronous>, transform_indices = @transform_2, window_bounds = array<i64: 35, 64>}, {pipeline_mode = #tpu.pipeline_mode<synchronous>, transform_indices = @transform_3, window_bounds = array<i64: 1, 64>}, {pipeline_mode = #tpu.pipeline_mode<synchronous>, transform_indices = @transform_4, window_bounds = array<i64: 1, 64>}, {pipeline_mode = #tpu.pipeline_mode<synchronous>, transform_indices = @transform_5, window_bounds = array<i64: 1, 64>}, {pipeline_mode = #tpu.pipeline_mode<synchronous>, transform_indices = @transform_6, window_bounds = array<i64: 64, 64>}, {pipeline_mode = #tpu.pipeline_mode<synchronous>, transform_indices = @transform_7, window_bounds = array<i64: 1, 64>}, {pipeline_mode = #tpu.pipeline_mode<synchronous>, transform_indices = @transform_8, window_bounds = array<i64: 1, 64>}, {pipeline_mode = #tpu.pipeline_mode<synchronous>, transform_indices = @transform_9, window_bounds = array<i64: 1, 64>}, {transform_indices = @transform_10, window_bounds = array<i64: 512, 64>}]} {
    %get3A = arith.constant 0 : index
    %get3A_0 = arith.constant 0 : index
    %get3A_1 = vector.load %arg1[%get3A, %get3A_0] : memref<16384x35xf32, #tpu.memory_space<vmem>>, vector<16384x35xf32>
    %get3A_2 = arith.constant 0 : index
    %get3A_3 = arith.constant 0 : index
    %get3A_4 = vector.load %arg3[%get3A_2, %get3A_3] : memref<35x64xf32, #tpu.memory_space<vmem>>, vector<35x64xf32>
    %dot_general3A = arith.constant dense<0.000000e+00> : vector<16384x64xf32>
    %dot_general3A_5 = tpu.matmul %get3A_1, %get3A_4, %dot_general3A {dimension_numbers = #tpu.dot_dimension_numbers<[1], [0], [0], [1], [0, 0, 1, 1], [], []>, transpose_lhs_hint = false} : vector<16384x35xf32>, vector<35x64xf32>, vector<16384x64xf32> -> vector<16384x64xf32>
    %get3A_6 = arith.constant 0 : index
    %get3A_7 = arith.constant 0 : index
    %get3A_8 = vector.load %arg4[%get3A_6, %get3A_7] : memref<1x64xf32, #tpu.memory_space<vmem>>, vector<1x64xf32>
    %add3A = vector.broadcast %get3A_8 : vector<1x64xf32> to vector<16384x64xf32>
    %add3A_9 = arith.addf %dot_general3A_5, %add3A : vector<16384x64xf32>
    %max3A = arith.constant 0.000000e+00 : f32
    %max3A_10 = vector.broadcast %max3A : f32 to vector<16384x64xf32>
    %max3A_11 = arith.maximumf %add3A_9, %max3A_10 : vector<16384x64xf32>
    %get3A_12 = arith.constant 0 : index
    %get3A_13 = arith.constant 0 : index
    %get3A_14 = vector.load %arg5[%get3A_12, %get3A_13] : memref<1x64xf32, #tpu.memory_space<vmem>>, vector<1x64xf32>
    %mul3A = vector.broadcast %get3A_14 : vector<1x64xf32> to vector<16384x64xf32>
    %mul3A_15 = arith.mulf %max3A_11, %mul3A : vector<16384x64xf32>
    %get3A_16 = arith.constant 0 : index
    %get3A_17 = arith.constant 0 : index
    %get3A_18 = vector.load %arg6[%get3A_16, %get3A_17] : memref<1x64xf32, #tpu.memory_space<vmem>>, vector<1x64xf32>
    %add3A_19 = vector.broadcast %get3A_18 : vector<1x64xf32> to vector<16384x64xf32>
    %add3A_20 = arith.addf %mul3A_15, %add3A_19 : vector<16384x64xf32>
    %get3A_21 = arith.constant 0 : index
    %get3A_22 = arith.constant 0 : index
    %get3A_23 = vector.load %arg7[%get3A_21, %get3A_22] : memref<64x64xf32, #tpu.memory_space<vmem>>, vector<64x64xf32>
    %dot_general3A_24 = arith.constant dense<0.000000e+00> : vector<16384x64xf32>
    %dot_general3A_25 = tpu.matmul %add3A_20, %get3A_23, %dot_general3A_24 {dimension_numbers = #tpu.dot_dimension_numbers<[1], [0], [0], [1], [0, 0, 1, 1], [], []>, transpose_lhs_hint = false} : vector<16384x64xf32>, vector<64x64xf32>, vector<16384x64xf32> -> vector<16384x64xf32>
    %get3A_26 = arith.constant 0 : index
    %get3A_27 = arith.constant 0 : index
    %get3A_28 = vector.load %arg8[%get3A_26, %get3A_27] : memref<1x64xf32, #tpu.memory_space<vmem>>, vector<1x64xf32>
    %add3A_29 = vector.broadcast %get3A_28 : vector<1x64xf32> to vector<16384x64xf32>
    %add3A_30 = arith.addf %dot_general3A_25, %add3A_29 : vector<16384x64xf32>
    %max3A_31 = arith.constant 0.000000e+00 : f32
    %max3A_32 = vector.broadcast %max3A_31 : f32 to vector<16384x64xf32>
    %max3A_33 = arith.maximumf %add3A_30, %max3A_32 : vector<16384x64xf32>
    %get3A_34 = arith.constant 0 : index
    %get3A_35 = arith.constant 0 : index
    %get3A_36 = vector.load %arg9[%get3A_34, %get3A_35] : memref<1x64xf32, #tpu.memory_space<vmem>>, vector<1x64xf32>
    %mul3A_37 = vector.broadcast %get3A_36 : vector<1x64xf32> to vector<16384x64xf32>
    %mul3A_38 = arith.mulf %max3A_33, %mul3A_37 : vector<16384x64xf32>
    %get3A_39 = arith.constant 0 : index
    %get3A_40 = arith.constant 0 : index
    %get3A_41 = vector.load %arg10[%get3A_39, %get3A_40] : memref<1x64xf32, #tpu.memory_space<vmem>>, vector<1x64xf32>
    %add3A_42 = vector.broadcast %get3A_41 : vector<1x64xf32> to vector<16384x64xf32>
    %add3A_43 = arith.addf %mul3A_38, %add3A_42 : vector<16384x64xf32>
    %reshape3A = vector.shape_cast %add3A_43 : vector<16384x64xf32> to vector<512x32x64xf32>
    %get3A_44 = arith.constant 0 : index
    %get3A_45 = arith.constant 0 : index
    %get3A_46 = vector.load %arg2[%get3A_44, %get3A_45] : memref<512x32xf32, #tpu.memory_space<vmem>>, vector<512x32xf32>
    %broadcast_in_dim3A = vector.shape_cast %get3A_46 : vector<512x32xf32> to vector<512x32x1xf32>
    %add3A_47 = vector.broadcast %broadcast_in_dim3A : vector<512x32x1xf32> to vector<512x32x64xf32>
    %add3A_48 = arith.addf %reshape3A, %add3A_47 : vector<512x32x64xf32>
    %reduce_max3A = arith.constant dense<0xFF800000> : vector<512x64xf32>
    %reduce_max3A_49 = vector.multi_reduction <maximumf>, %add3A_48, %reduce_max3A [1] : vector<512x32x64xf32> to vector<512x64xf32>
    %swap3A = arith.constant 0 : index
    %swap3A_50 = arith.constant 0 : index
    %swap3A_51 = vector.load %arg11[%swap3A, %swap3A_50] : memref<512x64xf32, #tpu.memory_space<vmem>>, vector<512x64xf32>
    tpu.vector_store %arg11[%swap3A, %swap3A_50], %reduce_max3A_49 {strides = array<i32>} : memref<512x64xf32, #tpu.memory_space<vmem>>, vector<512x64xf32>,
    return
  }
  func.func @transform_0(%arg0: i32) -> (i32, i32) {
    %c0_i32 = arith.constant 0 : i32
    %c0_i32_0 = arith.constant 0 : i32
    return %arg0, %c0_i32 : i32, i32
  }
  func.func @transform_1(%arg0: i32) -> (i32, i32) {
    %c0_i32 = arith.constant 0 : i32
    %c0_i32_0 = arith.constant 0 : i32
    return %arg0, %c0_i32 : i32, i32
  }
  func.func @transform_2(%arg0: i32) -> (i32, i32) {
    %c0_i32 = arith.constant 0 : i32
    %c0_i32_0 = arith.constant 0 : i32
    %c0_i32_1 = arith.constant 0 : i32
    return %c0_i32, %c0_i32_0 : i32, i32
  }
  func.func @transform_3(%arg0: i32) -> (i32, i32) {
    %c0_i32 = arith.constant 0 : i32
    %c0_i32_0 = arith.constant 0 : i32
    %c0_i32_1 = arith.constant 0 : i32
    return %c0_i32, %c0_i32_0 : i32, i32
  }
  func.func @transform_4(%arg0: i32) -> (i32, i32) {
    %c0_i32 = arith.constant 0 : i32
    %c0_i32_0 = arith.constant 0 : i32
    %c0_i32_1 = arith.constant 0 : i32
    return %c0_i32, %c0_i32_0 : i32, i32
  }
  func.func @transform_5(%arg0: i32) -> (i32, i32) {
    %c0_i32 = arith.constant 0 : i32
    %c0_i32_0 = arith.constant 0 : i32
    %c0_i32_1 = arith.constant 0 : i32
    return %c0_i32, %c0_i32_0 : i32, i32
  }
  func.func @transform_6(%arg0: i32) -> (i32, i32) {
    %c0_i32 = arith.constant 0 : i32
    %c0_i32_0 = arith.constant 0 : i32
    %c0_i32_1 = arith.constant 0 : i32
    return %c0_i32, %c0_i32_0 : i32, i32
  }
  func.func @transform_7(%arg0: i32) -> (i32, i32) {
    %c0_i32 = arith.constant 0 : i32
    %c0_i32_0 = arith.constant 0 : i32
    %c0_i32_1 = arith.constant 0 : i32
    return %c0_i32, %c0_i32_0 : i32, i32
  }
  func.func @transform_8(%arg0: i32) -> (i32, i32) {
    %c0_i32 = arith.constant 0 : i32
    %c0_i32_0 = arith.constant 0 : i32
    %c0_i32_1 = arith.constant 0 : i32
    return %c0_i32, %c0_i32_0 : i32, i32
  }
  func.func @transform_9(%arg0: i32) -> (i32, i32) {
    %c0_i32 = arith.constant 0 : i32
    %c0_i32_0 = arith.constant 0 : i32
    %c0_i32_1 = arith.constant 0 : i32
    return %c0_i32, %c0_i32_0 : i32, i32
  }
  func.func @transform_10(%arg0: i32) -> (i32, i32) {
    %c0_i32 = arith.constant 0 : i32
    %c0_i32_0 = arith.constant 0 : i32
    return %arg0, %c0_i32 : i32, i32
  }
}

module attributes {stable_mosaic.version = 14 : i64} {
  func.func @_sa3_body(%arg0: i32, %arg1: memref<1x256x67xf32, #tpu.memory_space<vmem>>, %arg2: memref<67x64xf32, #tpu.memory_space<vmem>>, %arg3: memref<1x64xf32, #tpu.memory_space<vmem>>, %arg4: memref<1x64xf32, #tpu.memory_space<vmem>>, %arg5: memref<1x64xf32, #tpu.memory_space<vmem>>, %arg6: memref<64x128xf32, #tpu.memory_space<vmem>>, %arg7: memref<1x128xf32, #tpu.memory_space<vmem>>, %arg8: memref<1x128xf32, #tpu.memory_space<vmem>>, %arg9: memref<1x128xf32, #tpu.memory_space<vmem>>, %arg10: memref<1x1x128xf32, #tpu.memory_space<vmem>>) attributes {dimension_semantics = [#tpu.dimension_semantics<arbitrary>], iteration_bounds = array<i64: 8>, scalar_prefetch = 0 : i64, scratch_operands = 0 : i64, tpu.core_type = #tpu.core_type<tc>, window_params = [{transform_indices = @transform_0, window_bounds = array<i64: 1, 256, 67>}, {pipeline_mode = #tpu.pipeline_mode<synchronous>, transform_indices = @transform_1, window_bounds = array<i64: 67, 64>}, {pipeline_mode = #tpu.pipeline_mode<synchronous>, transform_indices = @transform_2, window_bounds = array<i64: 1, 64>}, {pipeline_mode = #tpu.pipeline_mode<synchronous>, transform_indices = @transform_3, window_bounds = array<i64: 1, 64>}, {pipeline_mode = #tpu.pipeline_mode<synchronous>, transform_indices = @transform_4, window_bounds = array<i64: 1, 64>}, {pipeline_mode = #tpu.pipeline_mode<synchronous>, transform_indices = @transform_5, window_bounds = array<i64: 64, 128>}, {pipeline_mode = #tpu.pipeline_mode<synchronous>, transform_indices = @transform_6, window_bounds = array<i64: 1, 128>}, {pipeline_mode = #tpu.pipeline_mode<synchronous>, transform_indices = @transform_7, window_bounds = array<i64: 1, 128>}, {pipeline_mode = #tpu.pipeline_mode<synchronous>, transform_indices = @transform_8, window_bounds = array<i64: 1, 128>}, {transform_indices = @transform_9, window_bounds = array<i64: 1, 1, 128>}]} {
    %get3A = arith.constant 0 : index
    %get3A_0 = arith.constant 0 : index
    %get3A_1 = arith.constant 0 : index
    %get3A_2 = vector.load %arg1[%get3A, %get3A_0, %get3A_1] : memref<1x256x67xf32, #tpu.memory_space<vmem>>, vector<1x256x67xf32>
    %get3A_3 = vector.shape_cast %get3A_2 : vector<1x256x67xf32> to vector<256x67xf32>
    %get3A_4 = arith.constant 0 : index
    %get3A_5 = arith.constant 0 : index
    %get3A_6 = vector.load %arg2[%get3A_4, %get3A_5] : memref<67x64xf32, #tpu.memory_space<vmem>>, vector<67x64xf32>
    %dot_general3A = arith.constant dense<0.000000e+00> : vector<256x64xf32>
    %dot_general3A_7 = tpu.matmul %get3A_3, %get3A_6, %dot_general3A {dimension_numbers = #tpu.dot_dimension_numbers<[1], [0], [0], [1], [0, 0, 1, 1], [], []>, transpose_lhs_hint = false} : vector<256x67xf32>, vector<67x64xf32>, vector<256x64xf32> -> vector<256x64xf32>
    %get3A_8 = arith.constant 0 : index
    %get3A_9 = arith.constant 0 : index
    %get3A_10 = vector.load %arg3[%get3A_8, %get3A_9] : memref<1x64xf32, #tpu.memory_space<vmem>>, vector<1x64xf32>
    %add3A = vector.broadcast %get3A_10 : vector<1x64xf32> to vector<256x64xf32>
    %add3A_11 = arith.addf %dot_general3A_7, %add3A : vector<256x64xf32>
    %max3A = arith.constant 0.000000e+00 : f32
    %max3A_12 = vector.broadcast %max3A : f32 to vector<256x64xf32>
    %max3A_13 = arith.maximumf %add3A_11, %max3A_12 : vector<256x64xf32>
    %get3A_14 = arith.constant 0 : index
    %get3A_15 = arith.constant 0 : index
    %get3A_16 = vector.load %arg4[%get3A_14, %get3A_15] : memref<1x64xf32, #tpu.memory_space<vmem>>, vector<1x64xf32>
    %mul3A = vector.broadcast %get3A_16 : vector<1x64xf32> to vector<256x64xf32>
    %mul3A_17 = arith.mulf %max3A_13, %mul3A : vector<256x64xf32>
    %get3A_18 = arith.constant 0 : index
    %get3A_19 = arith.constant 0 : index
    %get3A_20 = vector.load %arg5[%get3A_18, %get3A_19] : memref<1x64xf32, #tpu.memory_space<vmem>>, vector<1x64xf32>
    %add3A_21 = vector.broadcast %get3A_20 : vector<1x64xf32> to vector<256x64xf32>
    %add3A_22 = arith.addf %mul3A_17, %add3A_21 : vector<256x64xf32>
    %get3A_23 = arith.constant 0 : index
    %get3A_24 = arith.constant 0 : index
    %get3A_25 = vector.load %arg6[%get3A_23, %get3A_24] : memref<64x128xf32, #tpu.memory_space<vmem>>, vector<64x128xf32>
    %dot_general3A_26 = arith.constant dense<0.000000e+00> : vector<256x128xf32>
    %dot_general3A_27 = tpu.matmul %add3A_22, %get3A_25, %dot_general3A_26 {dimension_numbers = #tpu.dot_dimension_numbers<[1], [0], [0], [1], [0, 0, 1, 1], [], []>, transpose_lhs_hint = false} : vector<256x64xf32>, vector<64x128xf32>, vector<256x128xf32> -> vector<256x128xf32>
    %get3A_28 = arith.constant 0 : index
    %get3A_29 = arith.constant 0 : index
    %get3A_30 = vector.load %arg7[%get3A_28, %get3A_29] : memref<1x128xf32, #tpu.memory_space<vmem>>, vector<1x128xf32>
    %add3A_31 = vector.broadcast %get3A_30 : vector<1x128xf32> to vector<256x128xf32>
    %add3A_32 = arith.addf %dot_general3A_27, %add3A_31 : vector<256x128xf32>
    %max3A_33 = arith.constant 0.000000e+00 : f32
    %max3A_34 = vector.broadcast %max3A_33 : f32 to vector<256x128xf32>
    %max3A_35 = arith.maximumf %add3A_32, %max3A_34 : vector<256x128xf32>
    %get3A_36 = arith.constant 0 : index
    %get3A_37 = arith.constant 0 : index
    %get3A_38 = vector.load %arg8[%get3A_36, %get3A_37] : memref<1x128xf32, #tpu.memory_space<vmem>>, vector<1x128xf32>
    %mul3A_39 = vector.broadcast %get3A_38 : vector<1x128xf32> to vector<256x128xf32>
    %mul3A_40 = arith.mulf %max3A_35, %mul3A_39 : vector<256x128xf32>
    %get3A_41 = arith.constant 0 : index
    %get3A_42 = arith.constant 0 : index
    %get3A_43 = vector.load %arg9[%get3A_41, %get3A_42] : memref<1x128xf32, #tpu.memory_space<vmem>>, vector<1x128xf32>
    %add3A_44 = vector.broadcast %get3A_43 : vector<1x128xf32> to vector<256x128xf32>
    %add3A_45 = arith.addf %mul3A_40, %add3A_44 : vector<256x128xf32>
    %reduce_max3A = arith.constant dense<0xFF800000> : vector<128xf32>
    %reduce_max3A_46 = vector.multi_reduction <maximumf>, %add3A_45, %reduce_max3A [0] : vector<256x128xf32> to vector<128xf32>
    %broadcast_in_dim3A = vector.shape_cast %reduce_max3A_46 : vector<128xf32> to vector<1x128xf32>
    %swap3A = arith.constant 0 : index
    %swap3A_47 = arith.constant 0 : index
    %swap3A_48 = arith.constant 0 : index
    %swap3A_49 = vector.load %arg10[%swap3A, %swap3A_47, %swap3A_48] : memref<1x1x128xf32, #tpu.memory_space<vmem>>, vector<1x1x128xf32>
    %swap3A_50 = vector.shape_cast %swap3A_49 : vector<1x1x128xf32> to vector<1x128xf32>
    %swap3A_51 = vector.shape_cast %broadcast_in_dim3A : vector<1x128xf32> to vector<1x1x128xf32>
    tpu.vector_store %arg10[%swap3A, %swap3A_47, %swap3A_48], %swap3A_51 {strides = array<i32>} : memref<1x1x128xf32, #tpu.memory_space<vmem>>, vector<1x1x128xf32>,
    return
  }
  func.func @transform_0(%arg0: i32) -> (i32, i32, i32) {
    %c0_i32 = arith.constant 0 : i32
    %c0_i32_0 = arith.constant 0 : i32
    %c0_i32_1 = arith.constant 0 : i32
    return %arg0, %c0_i32, %c0_i32_0 : i32, i32, i32
  }
  func.func @transform_1(%arg0: i32) -> (i32, i32) {
    %c0_i32 = arith.constant 0 : i32
    %c0_i32_0 = arith.constant 0 : i32
    %c0_i32_1 = arith.constant 0 : i32
    return %c0_i32, %c0_i32_0 : i32, i32
  }
  func.func @transform_2(%arg0: i32) -> (i32, i32) {
    %c0_i32 = arith.constant 0 : i32
    %c0_i32_0 = arith.constant 0 : i32
    %c0_i32_1 = arith.constant 0 : i32
    return %c0_i32, %c0_i32_0 : i32, i32
  }
  func.func @transform_3(%arg0: i32) -> (i32, i32) {
    %c0_i32 = arith.constant 0 : i32
    %c0_i32_0 = arith.constant 0 : i32
    %c0_i32_1 = arith.constant 0 : i32
    return %c0_i32, %c0_i32_0 : i32, i32
  }
  func.func @transform_4(%arg0: i32) -> (i32, i32) {
    %c0_i32 = arith.constant 0 : i32
    %c0_i32_0 = arith.constant 0 : i32
    %c0_i32_1 = arith.constant 0 : i32
    return %c0_i32, %c0_i32_0 : i32, i32
  }
  func.func @transform_5(%arg0: i32) -> (i32, i32) {
    %c0_i32 = arith.constant 0 : i32
    %c0_i32_0 = arith.constant 0 : i32
    %c0_i32_1 = arith.constant 0 : i32
    return %c0_i32, %c0_i32_0 : i32, i32
  }
  func.func @transform_6(%arg0: i32) -> (i32, i32) {
    %c0_i32 = arith.constant 0 : i32
    %c0_i32_0 = arith.constant 0 : i32
    %c0_i32_1 = arith.constant 0 : i32
    return %c0_i32, %c0_i32_0 : i32, i32
  }
  func.func @transform_7(%arg0: i32) -> (i32, i32) {
    %c0_i32 = arith.constant 0 : i32
    %c0_i32_0 = arith.constant 0 : i32
    %c0_i32_1 = arith.constant 0 : i32
    return %c0_i32, %c0_i32_0 : i32, i32
  }
  func.func @transform_8(%arg0: i32) -> (i32, i32) {
    %c0_i32 = arith.constant 0 : i32
    %c0_i32_0 = arith.constant 0 : i32
    %c0_i32_1 = arith.constant 0 : i32
    return %c0_i32, %c0_i32_0 : i32, i32
  }
  func.func @transform_9(%arg0: i32) -> (i32, i32, i32) {
    %c0_i32 = arith.constant 0 : i32
    %c0_i32_0 = arith.constant 0 : i32
    %c0_i32_1 = arith.constant 0 : i32
    return %arg0, %c0_i32, %c0_i32_0 : i32, i32, i32
  }
}

module attributes {stable_mosaic.version = 14 : i64} {
  func.func @_fp3_body(%arg0: memref<2048x128xf32, #tpu.memory_space<vmem>>, %arg1: memref<2048x64xf32, #tpu.memory_space<vmem>>, %arg2: memref<192x64xf32, #tpu.memory_space<vmem>>, %arg3: memref<1x64xf32, #tpu.memory_space<vmem>>, %arg4: memref<1x64xf32, #tpu.memory_space<vmem>>, %arg5: memref<1x64xf32, #tpu.memory_space<vmem>>, %arg6: memref<64x64xf32, #tpu.memory_space<vmem>>, %arg7: memref<1x64xf32, #tpu.memory_space<vmem>>, %arg8: memref<1x64xf32, #tpu.memory_space<vmem>>, %arg9: memref<1x64xf32, #tpu.memory_space<vmem>>, %arg10: memref<2048x64xf32, #tpu.memory_space<vmem>>) attributes {dimension_semantics = [], scalar_prefetch = 0 : i64, scratch_operands = 0 : i64, tpu.core_type = #tpu.core_type<tc>} {
    %get3A = arith.constant 0 : index
    %get3A_0 = arith.constant 0 : index
    %get3A_1 = vector.load %arg0[%get3A, %get3A_0] : memref<2048x128xf32, #tpu.memory_space<vmem>>, vector<2048x128xf32>
    %get3A_2 = arith.constant 0 : index
    %get3A_3 = arith.constant 0 : index
    %get3A_4 = vector.load %arg1[%get3A_2, %get3A_3] : memref<2048x64xf32, #tpu.memory_space<vmem>>, vector<2048x64xf32>
    %concatenate3A = tpu.concatenate %get3A_1, %get3A_4 in 1 : vector<2048x128xf32>, vector<2048x64xf32> -> vector<2048x192xf32>
    %get3A_5 = arith.constant 0 : index
    %get3A_6 = arith.constant 0 : index
    %get3A_7 = vector.load %arg2[%get3A_5, %get3A_6] : memref<192x64xf32, #tpu.memory_space<vmem>>, vector<192x64xf32>
    %dot_general3A = arith.constant dense<0.000000e+00> : vector<2048x64xf32>
    %dot_general3A_8 = tpu.matmul %concatenate3A, %get3A_7, %dot_general3A {dimension_numbers = #tpu.dot_dimension_numbers<[1], [0], [0], [1], [0, 0, 1, 1], [], []>, transpose_lhs_hint = false} : vector<2048x192xf32>, vector<192x64xf32>, vector<2048x64xf32> -> vector<2048x64xf32>
    %get3A_9 = arith.constant 0 : index
    %get3A_10 = arith.constant 0 : index
    %get3A_11 = vector.load %arg3[%get3A_9, %get3A_10] : memref<1x64xf32, #tpu.memory_space<vmem>>, vector<1x64xf32>
    %add3A = vector.broadcast %get3A_11 : vector<1x64xf32> to vector<2048x64xf32>
    %add3A_12 = arith.addf %dot_general3A_8, %add3A : vector<2048x64xf32>
    %max3A = arith.constant 0.000000e+00 : f32
    %max3A_13 = vector.broadcast %max3A : f32 to vector<2048x64xf32>
    %max3A_14 = arith.maximumf %add3A_12, %max3A_13 : vector<2048x64xf32>
    %get3A_15 = arith.constant 0 : index
    %get3A_16 = arith.constant 0 : index
    %get3A_17 = vector.load %arg4[%get3A_15, %get3A_16] : memref<1x64xf32, #tpu.memory_space<vmem>>, vector<1x64xf32>
    %mul3A = vector.broadcast %get3A_17 : vector<1x64xf32> to vector<2048x64xf32>
    %mul3A_18 = arith.mulf %max3A_14, %mul3A : vector<2048x64xf32>
    %get3A_19 = arith.constant 0 : index
    %get3A_20 = arith.constant 0 : index
    %get3A_21 = vector.load %arg5[%get3A_19, %get3A_20] : memref<1x64xf32, #tpu.memory_space<vmem>>, vector<1x64xf32>
    %add3A_22 = vector.broadcast %get3A_21 : vector<1x64xf32> to vector<2048x64xf32>
    %add3A_23 = arith.addf %mul3A_18, %add3A_22 : vector<2048x64xf32>
    %get3A_24 = arith.constant 0 : index
    %get3A_25 = arith.constant 0 : index
    %get3A_26 = vector.load %arg6[%get3A_24, %get3A_25] : memref<64x64xf32, #tpu.memory_space<vmem>>, vector<64x64xf32>
    %dot_general3A_27 = arith.constant dense<0.000000e+00> : vector<2048x64xf32>
    %dot_general3A_28 = tpu.matmul %add3A_23, %get3A_26, %dot_general3A_27 {dimension_numbers = #tpu.dot_dimension_numbers<[1], [0], [0], [1], [0, 0, 1, 1], [], []>, transpose_lhs_hint = false} : vector<2048x64xf32>, vector<64x64xf32>, vector<2048x64xf32> -> vector<2048x64xf32>
    %get3A_29 = arith.constant 0 : index
    %get3A_30 = arith.constant 0 : index
    %get3A_31 = vector.load %arg7[%get3A_29, %get3A_30] : memref<1x64xf32, #tpu.memory_space<vmem>>, vector<1x64xf32>
    %add3A_32 = vector.broadcast %get3A_31 : vector<1x64xf32> to vector<2048x64xf32>
    %add3A_33 = arith.addf %dot_general3A_28, %add3A_32 : vector<2048x64xf32>
    %max3A_34 = arith.constant 0.000000e+00 : f32
    %max3A_35 = vector.broadcast %max3A_34 : f32 to vector<2048x64xf32>
    %max3A_36 = arith.maximumf %add3A_33, %max3A_35 : vector<2048x64xf32>
    %get3A_37 = arith.constant 0 : index
    %get3A_38 = arith.constant 0 : index
    %get3A_39 = vector.load %arg8[%get3A_37, %get3A_38] : memref<1x64xf32, #tpu.memory_space<vmem>>, vector<1x64xf32>
    %mul3A_40 = vector.broadcast %get3A_39 : vector<1x64xf32> to vector<2048x64xf32>
    %mul3A_41 = arith.mulf %max3A_36, %mul3A_40 : vector<2048x64xf32>
    %get3A_42 = arith.constant 0 : index
    %get3A_43 = arith.constant 0 : index
    %get3A_44 = vector.load %arg9[%get3A_42, %get3A_43] : memref<1x64xf32, #tpu.memory_space<vmem>>, vector<1x64xf32>
    %add3A_45 = vector.broadcast %get3A_44 : vector<1x64xf32> to vector<2048x64xf32>
    %add3A_46 = arith.addf %mul3A_41, %add3A_45 : vector<2048x64xf32>
    %swap3A = arith.constant 0 : index
    %swap3A_47 = arith.constant 0 : index
    %swap3A_48 = vector.load %arg10[%swap3A, %swap3A_47] : memref<2048x64xf32, #tpu.memory_space<vmem>>, vector<2048x64xf32>
    tpu.vector_store %arg10[%swap3A, %swap3A_47], %add3A_46 {strides = array<i32>} : memref<2048x64xf32, #tpu.memory_space<vmem>>, vector<2048x64xf32>,
    return
  }
}

module attributes {stable_mosaic.version = 14 : i64} {
  func.func @_fp2_body(%arg0: i32, %arg1: memref<1024x192xf32, #tpu.memory_space<vmem>>, %arg2: memref<1024x3xf32, #tpu.memory_space<vmem>>, %arg3: memref<1024x32xf32, #tpu.memory_space<vmem>>, %arg4: memref<96x64xf32, #tpu.memory_space<vmem>>, %arg5: memref<1x64xf32, #tpu.memory_space<vmem>>, %arg6: memref<1x64xf32, #tpu.memory_space<vmem>>, %arg7: memref<1x64xf32, #tpu.memory_space<vmem>>, %arg8: memref<64x32xf32, #tpu.memory_space<vmem>>, %arg9: memref<1x32xf32, #tpu.memory_space<vmem>>, %arg10: memref<1x32xf32, #tpu.memory_space<vmem>>, %arg11: memref<1x32xf32, #tpu.memory_space<vmem>>, %arg12: memref<1024x32xf32, #tpu.memory_space<vmem>>) attributes {dimension_semantics = [#tpu.dimension_semantics<arbitrary>], iteration_bounds = array<i64: 8>, scalar_prefetch = 0 : i64, scratch_operands = 0 : i64, tpu.core_type = #tpu.core_type<tc>, window_params = [{transform_indices = @transform_0, window_bounds = array<i64: 1024, 192>}, {transform_indices = @transform_1, window_bounds = array<i64: 1024, 3>}, {transform_indices = @transform_2, window_bounds = array<i64: 1024, 32>}, {pipeline_mode = #tpu.pipeline_mode<synchronous>, transform_indices = @transform_3, window_bounds = array<i64: 96, 64>}, {pipeline_mode = #tpu.pipeline_mode<synchronous>, transform_indices = @transform_4, window_bounds = array<i64: 1, 64>}, {pipeline_mode = #tpu.pipeline_mode<synchronous>, transform_indices = @transform_5, window_bounds = array<i64: 1, 64>}, {pipeline_mode = #tpu.pipeline_mode<synchronous>, transform_indices = @transform_6, window_bounds = array<i64: 1, 64>}, {pipeline_mode = #tpu.pipeline_mode<synchronous>, transform_indices = @transform_7, window_bounds = array<i64: 64, 32>}, {pipeline_mode = #tpu.pipeline_mode<synchronous>, transform_indices = @transform_8, window_bounds = array<i64: 1, 32>}, {pipeline_mode = #tpu.pipeline_mode<synchronous>, transform_indices = @transform_9, window_bounds = array<i64: 1, 32>}, {pipeline_mode = #tpu.pipeline_mode<synchronous>, transform_indices = @transform_10, window_bounds = array<i64: 1, 32>}, {transform_indices = @transform_11, window_bounds = array<i64: 1024, 32>}]} {
    %get3A = arith.constant 0 : index
    %get3A_0 = arith.constant 0 : index
    %get3A_1 = vector.load %arg2[%get3A, %get3A_0] : memref<1024x3xf32, #tpu.memory_space<vmem>>, vector<1024x3xf32>
    %get3A_2 = arith.constant 0 : index
    %get3A_3 = arith.constant 0 : index
    %get3A_4 = vector.load %arg1[%get3A_2, %get3A_3] : memref<1024x192xf32, #tpu.memory_space<vmem>>, vector<1024x192xf32>
    %slice3A = vector.extract_strided_slice %get3A_1 {offsets = [0, 0], sizes = [1024, 1], strides = [1, 1]} : vector<1024x3xf32> to vector<1024x1xf32>
    %slice3A_5 = vector.extract_strided_slice %get3A_4 {offsets = [0, 0], sizes = [1024, 64], strides = [1, 1]} : vector<1024x192xf32> to vector<1024x64xf32>
    %mul3A = vector.broadcast %slice3A : vector<1024x1xf32> to vector<1024x64xf32>
    %mul3A_6 = arith.mulf %mul3A, %slice3A_5 : vector<1024x64xf32>
    %slice3A_7 = vector.extract_strided_slice %get3A_1 {offsets = [0, 1], sizes = [1024, 1], strides = [1, 1]} : vector<1024x3xf32> to vector<1024x1xf32>
    %slice3A_8 = vector.extract_strided_slice %get3A_4 {offsets = [0, 64], sizes = [1024, 64], strides = [1, 1]} : vector<1024x192xf32> to vector<1024x64xf32>
    %mul3A_9 = vector.broadcast %slice3A_7 : vector<1024x1xf32> to vector<1024x64xf32>
    %mul3A_10 = arith.mulf %mul3A_9, %slice3A_8 : vector<1024x64xf32>
    %add3A = arith.addf %mul3A_6, %mul3A_10 : vector<1024x64xf32>
    %slice3A_11 = vector.extract_strided_slice %get3A_1 {offsets = [0, 2], sizes = [1024, 1], strides = [1, 1]} : vector<1024x3xf32> to vector<1024x1xf32>
    %slice3A_12 = vector.extract_strided_slice %get3A_4 {offsets = [0, 128], sizes = [1024, 64], strides = [1, 1]} : vector<1024x192xf32> to vector<1024x64xf32>
    %mul3A_13 = vector.broadcast %slice3A_11 : vector<1024x1xf32> to vector<1024x64xf32>
    %mul3A_14 = arith.mulf %mul3A_13, %slice3A_12 : vector<1024x64xf32>
    %add3A_15 = arith.addf %add3A, %mul3A_14 : vector<1024x64xf32>
    %slice3A_16 = vector.extract_strided_slice %get3A_1 {offsets = [0, 0], sizes = [1024, 1], strides = [1, 1]} : vector<1024x3xf32> to vector<1024x1xf32>
    %slice3A_17 = vector.extract_strided_slice %get3A_1 {offsets = [0, 1], sizes = [1024, 1], strides = [1, 1]} : vector<1024x3xf32> to vector<1024x1xf32>
    %add3A_18 = arith.addf %slice3A_16, %slice3A_17 : vector<1024x1xf32>
    %slice3A_19 = vector.extract_strided_slice %get3A_1 {offsets = [0, 2], sizes = [1024, 1], strides = [1, 1]} : vector<1024x3xf32> to vector<1024x1xf32>
    %add3A_20 = arith.addf %add3A_18, %slice3A_19 : vector<1024x1xf32>
    %div3A = vector.broadcast %add3A_20 : vector<1024x1xf32> to vector<1024x64xf32>
    %div3A_21 = arith.divf %add3A_15, %div3A : vector<1024x64xf32>
    %get3A_22 = arith.constant 0 : index
    %get3A_23 = arith.constant 0 : index
    %get3A_24 = vector.load %arg3[%get3A_22, %get3A_23] : memref<1024x32xf32, #tpu.memory_space<vmem>>, vector<1024x32xf32>
    %concatenate3A = tpu.concatenate %div3A_21, %get3A_24 in 1 : vector<1024x64xf32>, vector<1024x32xf32> -> vector<1024x96xf32>
    %get3A_25 = arith.constant 0 : index
    %get3A_26 = arith.constant 0 : index
    %get3A_27 = vector.load %arg4[%get3A_25, %get3A_26] : memref<96x64xf32, #tpu.memory_space<vmem>>, vector<96x64xf32>
    %dot_general3A = arith.constant dense<0.000000e+00> : vector<1024x64xf32>
    %dot_general3A_28 = tpu.matmul %concatenate3A, %get3A_27, %dot_general3A {dimension_numbers = #tpu.dot_dimension_numbers<[1], [0], [0], [1], [0, 0, 1, 1], [], []>, transpose_lhs_hint = false} : vector<1024x96xf32>, vector<96x64xf32>, vector<1024x64xf32> -> vector<1024x64xf32>
    %get3A_29 = arith.constant 0 : index
    %get3A_30 = arith.constant 0 : index
    %get3A_31 = vector.load %arg5[%get3A_29, %get3A_30] : memref<1x64xf32, #tpu.memory_space<vmem>>, vector<1x64xf32>
    %add3A_32 = vector.broadcast %get3A_31 : vector<1x64xf32> to vector<1024x64xf32>
    %add3A_33 = arith.addf %dot_general3A_28, %add3A_32 : vector<1024x64xf32>
    %max3A = arith.constant 0.000000e+00 : f32
    %max3A_34 = vector.broadcast %max3A : f32 to vector<1024x64xf32>
    %max3A_35 = arith.maximumf %add3A_33, %max3A_34 : vector<1024x64xf32>
    %get3A_36 = arith.constant 0 : index
    %get3A_37 = arith.constant 0 : index
    %get3A_38 = vector.load %arg6[%get3A_36, %get3A_37] : memref<1x64xf32, #tpu.memory_space<vmem>>, vector<1x64xf32>
    %mul3A_39 = vector.broadcast %get3A_38 : vector<1x64xf32> to vector<1024x64xf32>
    %mul3A_40 = arith.mulf %max3A_35, %mul3A_39 : vector<1024x64xf32>
    %get3A_41 = arith.constant 0 : index
    %get3A_42 = arith.constant 0 : index
    %get3A_43 = vector.load %arg7[%get3A_41, %get3A_42] : memref<1x64xf32, #tpu.memory_space<vmem>>, vector<1x64xf32>
    %add3A_44 = vector.broadcast %get3A_43 : vector<1x64xf32> to vector<1024x64xf32>
    %add3A_45 = arith.addf %mul3A_40, %add3A_44 : vector<1024x64xf32>
    %get3A_46 = arith.constant 0 : index
    %get3A_47 = arith.constant 0 : index
    %get3A_48 = vector.load %arg8[%get3A_46, %get3A_47] : memref<64x32xf32, #tpu.memory_space<vmem>>, vector<64x32xf32>
    %dot_general3A_49 = arith.constant dense<0.000000e+00> : vector<1024x32xf32>
    %dot_general3A_50 = tpu.matmul %add3A_45, %get3A_48, %dot_general3A_49 {dimension_numbers = #tpu.dot_dimension_numbers<[1], [0], [0], [1], [0, 0, 1, 1], [], []>, transpose_lhs_hint = false} : vector<1024x64xf32>, vector<64x32xf32>, vector<1024x32xf32> -> vector<1024x32xf32>
    %get3A_51 = arith.constant 0 : index
    %get3A_52 = arith.constant 0 : index
    %get3A_53 = vector.load %arg9[%get3A_51, %get3A_52] : memref<1x32xf32, #tpu.memory_space<vmem>>, vector<1x32xf32>
    %add3A_54 = vector.broadcast %get3A_53 : vector<1x32xf32> to vector<1024x32xf32>
    %add3A_55 = arith.addf %dot_general3A_50, %add3A_54 : vector<1024x32xf32>
    %max3A_56 = arith.constant 0.000000e+00 : f32
    %max3A_57 = vector.broadcast %max3A_56 : f32 to vector<1024x32xf32>
    %max3A_58 = arith.maximumf %add3A_55, %max3A_57 : vector<1024x32xf32>
    %get3A_59 = arith.constant 0 : index
    %get3A_60 = arith.constant 0 : index
    %get3A_61 = vector.load %arg10[%get3A_59, %get3A_60] : memref<1x32xf32, #tpu.memory_space<vmem>>, vector<1x32xf32>
    %mul3A_62 = vector.broadcast %get3A_61 : vector<1x32xf32> to vector<1024x32xf32>
    %mul3A_63 = arith.mulf %max3A_58, %mul3A_62 : vector<1024x32xf32>
    %get3A_64 = arith.constant 0 : index
    %get3A_65 = arith.constant 0 : index
    %get3A_66 = vector.load %arg11[%get3A_64, %get3A_65] : memref<1x32xf32, #tpu.memory_space<vmem>>, vector<1x32xf32>
    %add3A_67 = vector.broadcast %get3A_66 : vector<1x32xf32> to vector<1024x32xf32>
    %add3A_68 = arith.addf %mul3A_63, %add3A_67 : vector<1024x32xf32>
    %swap3A = arith.constant 0 : index
    %swap3A_69 = arith.constant 0 : index
    %swap3A_70 = vector.load %arg12[%swap3A, %swap3A_69] : memref<1024x32xf32, #tpu.memory_space<vmem>>, vector<1024x32xf32>
    tpu.vector_store %arg12[%swap3A, %swap3A_69], %add3A_68 {strides = array<i32>} : memref<1024x32xf32, #tpu.memory_space<vmem>>, vector<1024x32xf32>,
    return
  }
  func.func @transform_0(%arg0: i32) -> (i32, i32) {
    %c0_i32 = arith.constant 0 : i32
    %c0_i32_0 = arith.constant 0 : i32
    return %arg0, %c0_i32 : i32, i32
  }
  func.func @transform_1(%arg0: i32) -> (i32, i32) {
    %c0_i32 = arith.constant 0 : i32
    %c0_i32_0 = arith.constant 0 : i32
    return %arg0, %c0_i32 : i32, i32
  }
  func.func @transform_2(%arg0: i32) -> (i32, i32) {
    %c0_i32 = arith.constant 0 : i32
    %c0_i32_0 = arith.constant 0 : i32
    return %arg0, %c0_i32 : i32, i32
  }
  func.func @transform_3(%arg0: i32) -> (i32, i32) {
    %c0_i32 = arith.constant 0 : i32
    %c0_i32_0 = arith.constant 0 : i32
    %c0_i32_1 = arith.constant 0 : i32
    return %c0_i32, %c0_i32_0 : i32, i32
  }
  func.func @transform_4(%arg0: i32) -> (i32, i32) {
    %c0_i32 = arith.constant 0 : i32
    %c0_i32_0 = arith.constant 0 : i32
    %c0_i32_1 = arith.constant 0 : i32
    return %c0_i32, %c0_i32_0 : i32, i32
  }
  func.func @transform_5(%arg0: i32) -> (i32, i32) {
    %c0_i32 = arith.constant 0 : i32
    %c0_i32_0 = arith.constant 0 : i32
    %c0_i32_1 = arith.constant 0 : i32
    return %c0_i32, %c0_i32_0 : i32, i32
  }
  func.func @transform_6(%arg0: i32) -> (i32, i32) {
    %c0_i32 = arith.constant 0 : i32
    %c0_i32_0 = arith.constant 0 : i32
    %c0_i32_1 = arith.constant 0 : i32
    return %c0_i32, %c0_i32_0 : i32, i32
  }
  func.func @transform_7(%arg0: i32) -> (i32, i32) {
    %c0_i32 = arith.constant 0 : i32
    %c0_i32_0 = arith.constant 0 : i32
    %c0_i32_1 = arith.constant 0 : i32
    return %c0_i32, %c0_i32_0 : i32, i32
  }
  func.func @transform_8(%arg0: i32) -> (i32, i32) {
    %c0_i32 = arith.constant 0 : i32
    %c0_i32_0 = arith.constant 0 : i32
    %c0_i32_1 = arith.constant 0 : i32
    return %c0_i32, %c0_i32_0 : i32, i32
  }
  func.func @transform_9(%arg0: i32) -> (i32, i32) {
    %c0_i32 = arith.constant 0 : i32
    %c0_i32_0 = arith.constant 0 : i32
    %c0_i32_1 = arith.constant 0 : i32
    return %c0_i32, %c0_i32_0 : i32, i32
  }
  func.func @transform_10(%arg0: i32) -> (i32, i32) {
    %c0_i32 = arith.constant 0 : i32
    %c0_i32_0 = arith.constant 0 : i32
    %c0_i32_1 = arith.constant 0 : i32
    return %c0_i32, %c0_i32_0 : i32, i32
  }
  func.func @transform_11(%arg0: i32) -> (i32, i32) {
    %c0_i32 = arith.constant 0 : i32
    %c0_i32_0 = arith.constant 0 : i32
    return %arg0, %c0_i32 : i32, i32
  }
}

module attributes {stable_mosaic.version = 14 : i64} {
  func.func @_fp1_body(%arg0: i32, %arg1: memref<2048x96xf32, #tpu.memory_space<vmem>>, %arg2: memref<2048x3xf32, #tpu.memory_space<vmem>>, %arg3: memref<2048x7xf32, #tpu.memory_space<vmem>>, %arg4: memref<39x32xf32, #tpu.memory_space<vmem>>, %arg5: memref<1x32xf32, #tpu.memory_space<vmem>>, %arg6: memref<1x32xf32, #tpu.memory_space<vmem>>, %arg7: memref<1x32xf32, #tpu.memory_space<vmem>>, %arg8: memref<32x32xf32, #tpu.memory_space<vmem>>, %arg9: memref<1x32xf32, #tpu.memory_space<vmem>>, %arg10: memref<1x32xf32, #tpu.memory_space<vmem>>, %arg11: memref<1x32xf32, #tpu.memory_space<vmem>>, %arg12: memref<32x32xf32, #tpu.memory_space<vmem>>, %arg13: memref<1x32xf32, #tpu.memory_space<vmem>>, %arg14: memref<32x4xf32, #tpu.memory_space<vmem>>, %arg15: memref<1x4xf32, #tpu.memory_space<vmem>>, %arg16: memref<2048x4xf32, #tpu.memory_space<vmem>>, %arg17: memref<2048x4xf32, #tpu.memory_space<vmem>>) attributes {dimension_semantics = [#tpu.dimension_semantics<arbitrary>], iteration_bounds = array<i64: 16>, scalar_prefetch = 0 : i64, scratch_operands = 0 : i64, tpu.core_type = #tpu.core_type<tc>, window_params = [{transform_indices = @transform_0, window_bounds = array<i64: 2048, 96>}, {transform_indices = @transform_1, window_bounds = array<i64: 2048, 3>}, {transform_indices = @transform_2, window_bounds = array<i64: 2048, 7>}, {pipeline_mode = #tpu.pipeline_mode<synchronous>, transform_indices = @transform_3, window_bounds = array<i64: 39, 32>}, {pipeline_mode = #tpu.pipeline_mode<synchronous>, transform_indices = @transform_4, window_bounds = array<i64: 1, 32>}, {pipeline_mode = #tpu.pipeline_mode<synchronous>, transform_indices = @transform_5, window_bounds = array<i64: 1, 32>}, {pipeline_mode = #tpu.pipeline_mode<synchronous>, transform_indices = @transform_6, window_bounds = array<i64: 1, 32>}, {pipeline_mode = #tpu.pipeline_mode<synchronous>, transform_indices = @transform_7, window_bounds = array<i64: 32, 32>}, {pipeline_mode = #tpu.pipeline_mode<synchronous>, transform_indices = @transform_8, window_bounds = array<i64: 1, 32>}, {pipeline_mode = #tpu.pipeline_mode<synchronous>, transform_indices = @transform_9, window_bounds = array<i64: 1, 32>}, {pipeline_mode = #tpu.pipeline_mode<synchronous>, transform_indices = @transform_10, window_bounds = array<i64: 1, 32>}, {pipeline_mode = #tpu.pipeline_mode<synchronous>, transform_indices = @transform_11, window_bounds = array<i64: 32, 32>}, {pipeline_mode = #tpu.pipeline_mode<synchronous>, transform_indices = @transform_12, window_bounds = array<i64: 1, 32>}, {pipeline_mode = #tpu.pipeline_mode<synchronous>, transform_indices = @transform_13, window_bounds = array<i64: 32, 4>}, {pipeline_mode = #tpu.pipeline_mode<synchronous>, transform_indices = @transform_14, window_bounds = array<i64: 1, 4>}, {transform_indices = @transform_15, window_bounds = array<i64: 2048, 4>}, {transform_indices = @transform_16, window_bounds = array<i64: 2048, 4>}]} {
    %get3A = arith.constant 0 : index
    %get3A_0 = arith.constant 0 : index
    %get3A_1 = vector.load %arg2[%get3A, %get3A_0] : memref<2048x3xf32, #tpu.memory_space<vmem>>, vector<2048x3xf32>
    %get3A_2 = arith.constant 0 : index
    %get3A_3 = arith.constant 0 : index
    %get3A_4 = vector.load %arg1[%get3A_2, %get3A_3] : memref<2048x96xf32, #tpu.memory_space<vmem>>, vector<2048x96xf32>
    %slice3A = vector.extract_strided_slice %get3A_1 {offsets = [0, 0], sizes = [2048, 1], strides = [1, 1]} : vector<2048x3xf32> to vector<2048x1xf32>
    %slice3A_5 = vector.extract_strided_slice %get3A_4 {offsets = [0, 0], sizes = [2048, 32], strides = [1, 1]} : vector<2048x96xf32> to vector<2048x32xf32>
    %mul3A = vector.broadcast %slice3A : vector<2048x1xf32> to vector<2048x32xf32>
    %mul3A_6 = arith.mulf %mul3A, %slice3A_5 : vector<2048x32xf32>
    %slice3A_7 = vector.extract_strided_slice %get3A_1 {offsets = [0, 1], sizes = [2048, 1], strides = [1, 1]} : vector<2048x3xf32> to vector<2048x1xf32>
    %slice3A_8 = vector.extract_strided_slice %get3A_4 {offsets = [0, 32], sizes = [2048, 32], strides = [1, 1]} : vector<2048x96xf32> to vector<2048x32xf32>
    %mul3A_9 = vector.broadcast %slice3A_7 : vector<2048x1xf32> to vector<2048x32xf32>
    %mul3A_10 = arith.mulf %mul3A_9, %slice3A_8 : vector<2048x32xf32>
    %add3A = arith.addf %mul3A_6, %mul3A_10 : vector<2048x32xf32>
    %slice3A_11 = vector.extract_strided_slice %get3A_1 {offsets = [0, 2], sizes = [2048, 1], strides = [1, 1]} : vector<2048x3xf32> to vector<2048x1xf32>
    %slice3A_12 = vector.extract_strided_slice %get3A_4 {offsets = [0, 64], sizes = [2048, 32], strides = [1, 1]} : vector<2048x96xf32> to vector<2048x32xf32>
    %mul3A_13 = vector.broadcast %slice3A_11 : vector<2048x1xf32> to vector<2048x32xf32>
    %mul3A_14 = arith.mulf %mul3A_13, %slice3A_12 : vector<2048x32xf32>
    %add3A_15 = arith.addf %add3A, %mul3A_14 : vector<2048x32xf32>
    %slice3A_16 = vector.extract_strided_slice %get3A_1 {offsets = [0, 0], sizes = [2048, 1], strides = [1, 1]} : vector<2048x3xf32> to vector<2048x1xf32>
    %slice3A_17 = vector.extract_strided_slice %get3A_1 {offsets = [0, 1], sizes = [2048, 1], strides = [1, 1]} : vector<2048x3xf32> to vector<2048x1xf32>
    %add3A_18 = arith.addf %slice3A_16, %slice3A_17 : vector<2048x1xf32>
    %slice3A_19 = vector.extract_strided_slice %get3A_1 {offsets = [0, 2], sizes = [2048, 1], strides = [1, 1]} : vector<2048x3xf32> to vector<2048x1xf32>
    %add3A_20 = arith.addf %add3A_18, %slice3A_19 : vector<2048x1xf32>
    %div3A = vector.broadcast %add3A_20 : vector<2048x1xf32> to vector<2048x32xf32>
    %div3A_21 = arith.divf %add3A_15, %div3A : vector<2048x32xf32>
    %get3A_22 = arith.constant 0 : index
    %get3A_23 = arith.constant 0 : index
    %get3A_24 = vector.load %arg3[%get3A_22, %get3A_23] : memref<2048x7xf32, #tpu.memory_space<vmem>>, vector<2048x7xf32>
    %concatenate3A = tpu.concatenate %div3A_21, %get3A_24 in 1 : vector<2048x32xf32>, vector<2048x7xf32> -> vector<2048x39xf32>
    %get3A_25 = arith.constant 0 : index
    %get3A_26 = arith.constant 0 : index
    %get3A_27 = vector.load %arg4[%get3A_25, %get3A_26] : memref<39x32xf32, #tpu.memory_space<vmem>>, vector<39x32xf32>
    %dot_general3A = arith.constant dense<0.000000e+00> : vector<2048x32xf32>
    %dot_general3A_28 = tpu.matmul %concatenate3A, %get3A_27, %dot_general3A {dimension_numbers = #tpu.dot_dimension_numbers<[1], [0], [0], [1], [0, 0, 1, 1], [], []>, transpose_lhs_hint = false} : vector<2048x39xf32>, vector<39x32xf32>, vector<2048x32xf32> -> vector<2048x32xf32>
    %get3A_29 = arith.constant 0 : index
    %get3A_30 = arith.constant 0 : index
    %get3A_31 = vector.load %arg5[%get3A_29, %get3A_30] : memref<1x32xf32, #tpu.memory_space<vmem>>, vector<1x32xf32>
    %add3A_32 = vector.broadcast %get3A_31 : vector<1x32xf32> to vector<2048x32xf32>
    %add3A_33 = arith.addf %dot_general3A_28, %add3A_32 : vector<2048x32xf32>
    %max3A = arith.constant 0.000000e+00 : f32
    %max3A_34 = vector.broadcast %max3A : f32 to vector<2048x32xf32>
    %max3A_35 = arith.maximumf %add3A_33, %max3A_34 : vector<2048x32xf32>
    %get3A_36 = arith.constant 0 : index
    %get3A_37 = arith.constant 0 : index
    %get3A_38 = vector.load %arg6[%get3A_36, %get3A_37] : memref<1x32xf32, #tpu.memory_space<vmem>>, vector<1x32xf32>
    %mul3A_39 = vector.broadcast %get3A_38 : vector<1x32xf32> to vector<2048x32xf32>
    %mul3A_40 = arith.mulf %max3A_35, %mul3A_39 : vector<2048x32xf32>
    %get3A_41 = arith.constant 0 : index
    %get3A_42 = arith.constant 0 : index
    %get3A_43 = vector.load %arg7[%get3A_41, %get3A_42] : memref<1x32xf32, #tpu.memory_space<vmem>>, vector<1x32xf32>
    %add3A_44 = vector.broadcast %get3A_43 : vector<1x32xf32> to vector<2048x32xf32>
    %add3A_45 = arith.addf %mul3A_40, %add3A_44 : vector<2048x32xf32>
    %get3A_46 = arith.constant 0 : index
    %get3A_47 = arith.constant 0 : index
    %get3A_48 = vector.load %arg8[%get3A_46, %get3A_47] : memref<32x32xf32, #tpu.memory_space<vmem>>, vector<32x32xf32>
    %dot_general3A_49 = arith.constant dense<0.000000e+00> : vector<2048x32xf32>
    %dot_general3A_50 = tpu.matmul %add3A_45, %get3A_48, %dot_general3A_49 {dimension_numbers = #tpu.dot_dimension_numbers<[1], [0], [0], [1], [0, 0, 1, 1], [], []>, transpose_lhs_hint = false} : vector<2048x32xf32>, vector<32x32xf32>, vector<2048x32xf32> -> vector<2048x32xf32>
    %get3A_51 = arith.constant 0 : index
    %get3A_52 = arith.constant 0 : index
    %get3A_53 = vector.load %arg9[%get3A_51, %get3A_52] : memref<1x32xf32, #tpu.memory_space<vmem>>, vector<1x32xf32>
    %add3A_54 = vector.broadcast %get3A_53 : vector<1x32xf32> to vector<2048x32xf32>
    %add3A_55 = arith.addf %dot_general3A_50, %add3A_54 : vector<2048x32xf32>
    %max3A_56 = arith.constant 0.000000e+00 : f32
    %max3A_57 = vector.broadcast %max3A_56 : f32 to vector<2048x32xf32>
    %max3A_58 = arith.maximumf %add3A_55, %max3A_57 : vector<2048x32xf32>
    %get3A_59 = arith.constant 0 : index
    %get3A_60 = arith.constant 0 : index
    %get3A_61 = vector.load %arg10[%get3A_59, %get3A_60] : memref<1x32xf32, #tpu.memory_space<vmem>>, vector<1x32xf32>
    %mul3A_62 = vector.broadcast %get3A_61 : vector<1x32xf32> to vector<2048x32xf32>
    %mul3A_63 = arith.mulf %max3A_58, %mul3A_62 : vector<2048x32xf32>
    %get3A_64 = arith.constant 0 : index
    %get3A_65 = arith.constant 0 : index
    %get3A_66 = vector.load %arg11[%get3A_64, %get3A_65] : memref<1x32xf32, #tpu.memory_space<vmem>>, vector<1x32xf32>
    %add3A_67 = vector.broadcast %get3A_66 : vector<1x32xf32> to vector<2048x32xf32>
    %add3A_68 = arith.addf %mul3A_63, %add3A_67 : vector<2048x32xf32>
    %get3A_69 = arith.constant 0 : index
    %get3A_70 = arith.constant 0 : index
    %get3A_71 = vector.load %arg12[%get3A_69, %get3A_70] : memref<32x32xf32, #tpu.memory_space<vmem>>, vector<32x32xf32>
    %dot_general3A_72 = arith.constant dense<0.000000e+00> : vector<2048x32xf32>
    %dot_general3A_73 = tpu.matmul %add3A_68, %get3A_71, %dot_general3A_72 {dimension_numbers = #tpu.dot_dimension_numbers<[1], [0], [0], [1], [0, 0, 1, 1], [], []>, transpose_lhs_hint = false} : vector<2048x32xf32>, vector<32x32xf32>, vector<2048x32xf32> -> vector<2048x32xf32>
    %get3A_74 = arith.constant 0 : index
    %get3A_75 = arith.constant 0 : index
    %get3A_76 = vector.load %arg13[%get3A_74, %get3A_75] : memref<1x32xf32, #tpu.memory_space<vmem>>, vector<1x32xf32>
    %add3A_77 = vector.broadcast %get3A_76 : vector<1x32xf32> to vector<2048x32xf32>
    %add3A_78 = arith.addf %dot_general3A_73, %add3A_77 : vector<2048x32xf32>
    %max3A_79 = arith.constant 0.000000e+00 : f32
    %max3A_80 = vector.broadcast %max3A_79 : f32 to vector<2048x32xf32>
    %max3A_81 = arith.maximumf %add3A_78, %max3A_80 : vector<2048x32xf32>
    %get3A_82 = arith.constant 0 : index
    %get3A_83 = arith.constant 0 : index
    %get3A_84 = vector.load %arg14[%get3A_82, %get3A_83] : memref<32x4xf32, #tpu.memory_space<vmem>>, vector<32x4xf32>
    %dot_general3A_85 = arith.constant dense<0.000000e+00> : vector<2048x4xf32>
    %dot_general3A_86 = tpu.matmul %max3A_81, %get3A_84, %dot_general3A_85 {dimension_numbers = #tpu.dot_dimension_numbers<[1], [0], [0], [1], [0, 0, 1, 1], [], []>, transpose_lhs_hint = false} : vector<2048x32xf32>, vector<32x4xf32>, vector<2048x4xf32> -> vector<2048x4xf32>
    %get3A_87 = arith.constant 0 : index
    %get3A_88 = arith.constant 0 : index
    %get3A_89 = vector.load %arg15[%get3A_87, %get3A_88] : memref<1x4xf32, #tpu.memory_space<vmem>>, vector<1x4xf32>
    %add3A_90 = vector.broadcast %get3A_89 : vector<1x4xf32> to vector<2048x4xf32>
    %add3A_91 = arith.addf %dot_general3A_86, %add3A_90 : vector<2048x4xf32>
    %swap3A = arith.constant 0 : index
    %swap3A_92 = arith.constant 0 : index
    %swap3A_93 = vector.load %arg16[%swap3A, %swap3A_92] : memref<2048x4xf32, #tpu.memory_space<vmem>>, vector<2048x4xf32>
    tpu.vector_store %arg16[%swap3A, %swap3A_92], %add3A_91 {strides = array<i32>} : memref<2048x4xf32, #tpu.memory_space<vmem>>, vector<2048x4xf32>,
    %reduce_max3A = arith.constant dense<0xFF800000> : vector<2048xf32>
    %reduce_max3A_94 = vector.multi_reduction <maximumf>, %add3A_91, %reduce_max3A [1] : vector<2048x4xf32> to vector<2048xf32>
    %broadcast_in_dim3A = vector.shape_cast %reduce_max3A_94 : vector<2048xf32> to vector<2048x1xf32>
    %sub3A = vector.broadcast %broadcast_in_dim3A : vector<2048x1xf32> to vector<2048x4xf32>
    %sub3A_95 = arith.subf %add3A_91, %sub3A : vector<2048x4xf32>
    %exp3A = math.exp %sub3A_95 : vector<2048x4xf32>
    %reduce_sum3A = arith.constant dense<0.000000e+00> : vector<2048xf32>
    %reduce_sum3A_96 = vector.multi_reduction <add>, %exp3A, %reduce_sum3A [1] : vector<2048x4xf32> to vector<2048xf32>
    %broadcast_in_dim3A_97 = vector.shape_cast %reduce_sum3A_96 : vector<2048xf32> to vector<2048x1xf32>
    %div3A_98 = vector.broadcast %broadcast_in_dim3A_97 : vector<2048x1xf32> to vector<2048x4xf32>
    %div3A_99 = arith.divf %exp3A, %div3A_98 : vector<2048x4xf32>
    %swap3A_100 = arith.constant 0 : index
    %swap3A_101 = arith.constant 0 : index
    %swap3A_102 = vector.load %arg17[%swap3A_100, %swap3A_101] : memref<2048x4xf32, #tpu.memory_space<vmem>>, vector<2048x4xf32>
    tpu.vector_store %arg17[%swap3A_100, %swap3A_101], %div3A_99 {strides = array<i32>} : memref<2048x4xf32, #tpu.memory_space<vmem>>, vector<2048x4xf32>,
    return
  }
  func.func @transform_0(%arg0: i32) -> (i32, i32) {
    %c0_i32 = arith.constant 0 : i32
    %c0_i32_0 = arith.constant 0 : i32
    return %arg0, %c0_i32 : i32, i32
  }
  func.func @transform_1(%arg0: i32) -> (i32, i32) {
    %c0_i32 = arith.constant 0 : i32
    %c0_i32_0 = arith.constant 0 : i32
    return %arg0, %c0_i32 : i32, i32
  }
  func.func @transform_2(%arg0: i32) -> (i32, i32) {
    %c0_i32 = arith.constant 0 : i32
    %c0_i32_0 = arith.constant 0 : i32
    return %arg0, %c0_i32 : i32, i32
  }
  func.func @transform_3(%arg0: i32) -> (i32, i32) {
    %c0_i32 = arith.constant 0 : i32
    %c0_i32_0 = arith.constant 0 : i32
    %c0_i32_1 = arith.constant 0 : i32
    return %c0_i32, %c0_i32_0 : i32, i32
  }
  func.func @transform_4(%arg0: i32) -> (i32, i32) {
    %c0_i32 = arith.constant 0 : i32
    %c0_i32_0 = arith.constant 0 : i32
    %c0_i32_1 = arith.constant 0 : i32
    return %c0_i32, %c0_i32_0 : i32, i32
  }
  func.func @transform_5(%arg0: i32) -> (i32, i32) {
    %c0_i32 = arith.constant 0 : i32
    %c0_i32_0 = arith.constant 0 : i32
    %c0_i32_1 = arith.constant 0 : i32
    return %c0_i32, %c0_i32_0 : i32, i32
  }
  func.func @transform_6(%arg0: i32) -> (i32, i32) {
    %c0_i32 = arith.constant 0 : i32
    %c0_i32_0 = arith.constant 0 : i32
    %c0_i32_1 = arith.constant 0 : i32
    return %c0_i32, %c0_i32_0 : i32, i32
  }
  func.func @transform_7(%arg0: i32) -> (i32, i32) {
    %c0_i32 = arith.constant 0 : i32
    %c0_i32_0 = arith.constant 0 : i32
    %c0_i32_1 = arith.constant 0 : i32
    return %c0_i32, %c0_i32_0 : i32, i32
  }
  func.func @transform_8(%arg0: i32) -> (i32, i32) {
    %c0_i32 = arith.constant 0 : i32
    %c0_i32_0 = arith.constant 0 : i32
    %c0_i32_1 = arith.constant 0 : i32
    return %c0_i32, %c0_i32_0 : i32, i32
  }
  func.func @transform_9(%arg0: i32) -> (i32, i32) {
    %c0_i32 = arith.constant 0 : i32
    %c0_i32_0 = arith.constant 0 : i32
    %c0_i32_1 = arith.constant 0 : i32
    return %c0_i32, %c0_i32_0 : i32, i32
  }
  func.func @transform_10(%arg0: i32) -> (i32, i32) {
    %c0_i32 = arith.constant 0 : i32
    %c0_i32_0 = arith.constant 0 : i32
    %c0_i32_1 = arith.constant 0 : i32
    return %c0_i32, %c0_i32_0 : i32, i32
  }
  func.func @transform_11(%arg0: i32) -> (i32, i32) {
    %c0_i32 = arith.constant 0 : i32
    %c0_i32_0 = arith.constant 0 : i32
    %c0_i32_1 = arith.constant 0 : i32
    return %c0_i32, %c0_i32_0 : i32, i32
  }
  func.func @transform_12(%arg0: i32) -> (i32, i32) {
    %c0_i32 = arith.constant 0 : i32
    %c0_i32_0 = arith.constant 0 : i32
    %c0_i32_1 = arith.constant 0 : i32
    return %c0_i32, %c0_i32_0 : i32, i32
  }
  func.func @transform_13(%arg0: i32) -> (i32, i32) {
    %c0_i32 = arith.constant 0 : i32
    %c0_i32_0 = arith.constant 0 : i32
    %c0_i32_1 = arith.constant 0 : i32
    return %c0_i32, %c0_i32_0 : i32, i32
  }
  func.func @transform_14(%arg0: i32) -> (i32, i32) {
    %c0_i32 = arith.constant 0 : i32
    %c0_i32_0 = arith.constant 0 : i32
    %c0_i32_1 = arith.constant 0 : i32
    return %c0_i32, %c0_i32_0 : i32, i32
  }
  func.func @transform_15(%arg0: i32) -> (i32, i32) {
    %c0_i32 = arith.constant 0 : i32
    %c0_i32_0 = arith.constant 0 : i32
    return %arg0, %c0_i32 : i32, i32
  }
  func.func @transform_16(%arg0: i32) -> (i32, i32) {
    %c0_i32 = arith.constant 0 : i32
    %c0_i32_0 = arith.constant 0 : i32
    return %arg0, %c0_i32 : i32, i32
  }
}

</mosaic_0001>

<sc_bundles>
// kernel: gather_offload_async_start.1
scs
__scs_entry_jumppad:
0x0: {  	(pc) =	sbr.rel $0x88, $3  }
0x1: {  	(tag) =	ssettag $0x0;
	lr =	simm.s32 $0x1  }
0x2: {  	[smem:$0x3F6C] =	sst lr;
	_ =	strace $0xD0000000  }
0x3: {  	_ = 	snop  }
0x4: {  	_ = 	snop  }
0x5: {  	_ = 	snop  }
0x6: {  	_ = 	snop  }
0x7: {  	_ = 	snop  }
__scs_overlays_trampoline_lowered:
0x8: {  	[smem:$0x3F7B] =	sst s0  }
0x9: {  	[smem:$0x3F7C] =	sst s1  }
0xa: {  	[smem:$0x3F7D] =	sst s2  }
0xb: {  	[smem:$0x3F7E] =	sst s3  }
0xc: {  	[smem:$0x3F7F] =	sst s4  }
0xd: {  	[smem:$0x3F80] =	sst s5  }
0xe: {  	[smem:$0x3F81] =	sst s6  }
0xf: {  	[smem:$0x3F82] =	sst s7  }
0x10: {  	[smem:$0x3F83] =	sst s8  }
0x11: {  	[smem:$0x3F84] =	sst s9;
	s0 =	simm.s32 @!p0 $0x0  }
0x12: {  	s1 =	sld [smem:$0x3F6A];
	s0 =	simm.s32 @p0 $0x1  }
0x13: {  	[smem:$0x3F85] =	sst s0;
	s0 =	simm.s32 @!p1 $0x0  }
0x14: {  	s2 =	sld [smem:$0x3F69];
	s0 =	simm.s32 @p1 $0x1  }
0x15: {  	[smem:$0x3F86] =	sst s0;
	s0 =	simm.s32 @!p2 $0x0  }
0x16: {  	s3 =	sld [smem:$0x3FDB];
	s0 =	simm.s32 @p2 $0x1  }
0x17: {  	s4 =	simm.s32 $0x1BF5;
	[smem:$0x3F88] =	sst s0  }
0x18: {  	s0 =	sld [smem:$0x3F6B];
	_ =	swait.ge [sflag:s4], $0x0  }
0x19: {  	s7 =	sld [smem:$0x3F6C]  }
0x1a: {  	s8 =	sadd.s32 $0xFFFFE003, lr  }
0x1b: {  	s9 =	sadd.s32 $0xFFFFFEF7, lr;
	s5 =	simm.s32 $0xFFFFFFFF;
	p2 =	slt.u32 s8, $0xFFFFF086  }
0x1c: {  	p1 =	slt.u32 s9, $0xF7A;
	s5 =	simm.s32 @!p2 $0x0  }
0x1d: {  	s5 =	simm.s32 @p1 $0x1;
	p0 =	seq.s32 s7, s2  }
0x1e: {  	s7 =	smul.u32 @!p0 $0xF7A, s2;
	p2 =	seq.s32 @!p0 s5, $0x0  }
0x1f: {  	s9 =	smul.u32 $0xF7A, s1;
	s8 =	simm.s32 @!p0 $0x1BF5;
	p2 =	por !p2, p0  }
0x20: {  	[sflag:s8] =	ssyncset.s32 @!p0 $0xFFFFF086;
	s6 =	sadd.s32 @!p0 s3, s7;
	s7 =	simm.s32 @!p0 $0x108  }
0x21: {  	s3 =	sadd.s32 s3, s9;
	s6 =	sadd.s32 @!p0 $0x88, s6;
	s7 =	simm.s32 @p2 $0x1082  }
0x22: {  	[simem:s7], [sflag:s8] =	dma.local @!p0 [hbm:s6], $0xF7A  }
0x23: {  	s9 =	sor.u32 $0xD0000000, s2;
	s6 =	simm.s32 $0x108;
	_ =	swait.ge @!p0 [sflag:s8], $0x0  }
0x24: {  	s3 =	sadd.s32 $0x88, s3;
	s6 =	simm.s32 @!p1 $0x1082;
	[sflag:s4] =	ssyncset.s32 $0xFFFFF086  }
0x25: {  	[simem:s6], [sflag:s4] =	dma.local [hbm:s3], $0xF7A  }
0x26: {  	[smem:$0x3F6C] =	sst s1;
	(tag) =	ssettag s2;
	_ =	strace s9  }
0x27: {  	s1 =	sld [smem:$0x3F7C]  }
0x28: {  	s2 =	sld [smem:$0x3F7D]  }
0x29: {  	s4 =	sld [smem:$0x3F7F]  }
0x2a: {  	p0 =	seq.s32 s5, $0x0;
	s5 =	sld [smem:$0x3F80]  }
0x2b: {  	s6 =	sld [smem:$0x3F81]  }
0x2c: {  	s7 =	sld [smem:$0x3F82]  }
0x2d: {  	s3 =	simm.s32 $0x108;
	s8 =	sld [smem:$0x3F83]  }
0x2e: {  	s3 =	simm.s32 @!p0 $0x1082;
	s9 =	sld [smem:$0x3F84]  }
0x2f: {  	lr =	sadd.s32 s0, s3;
	s0 =	sld [smem:$0x3F7B]  }
0x30: {  	s3 =	sld [smem:$0x3F7E]  }
0x31: {  	[smem:$0x3F87] =	sst s10  }
0x32: {  	s10 =	sld [smem:$0x3F85];
	_ =	sdelay $0x3  }
0x33: {  	p0 =	seq.s32 s10, $0x1;
	s10 =	sld [smem:$0x3F87];
	_ =	sdelay $0x3  }
0x34: {  	[smem:$0x3F87] =	sst s10  }
0x35: {  	s10 =	sld [smem:$0x3F86];
	_ =	sdelay $0x3  }
0x36: {  	p1 =	seq.s32 s10, $0x1;
	s10 =	sld [smem:$0x3F87];
	_ =	sdelay $0x3  }
0x37: {  	[smem:$0x3F87] =	sst s10  }
0x38: {  	s10 =	sld [smem:$0x3F88]  }
0x39: {  	_ = 	snop;
	(pc) =	sbr.ind lr, $3  }
0x3a: {  	_ = 	snop  }
0x3b: {  	_ = 	snop  }
0x3c: {  	p2 =	seq.s32 s10, $0x1;
	s10 =	sld [smem:$0x3F87]  }
0x3d: {  	_ =	shalt  }
0x3e: {  	_ =	shalt  }
0x3f: {  	_ =	shalt  }
0x40: {  	_ =	shalt  }
0x41: {  	_ =	shalt  }
0x42: {  	_ =	shalt  }
0x43: {  	_ =	shalt  }
0x44: {  	_ =	shalt  }
0x45: {  	_ =	shalt  }
0x46: {  	_ =	shalt  }
0x47: {  	_ =	shalt  }
0x48: {  	_ =	shalt  }
0x49: {  	_ =	shalt  }
0x4a: {  	_ =	shalt  }
0x4b: {  	_ =	shalt  }
0x4c: {  	_ =	shalt  }
0x4d: {  	_ =	shalt  }
0x4e: {  	_ =	shalt  }
0x4f: {  	_ =	shalt  }
0x50: {  	_ =	shalt  }
0x51: {  	_ =	shalt  }
0x52: {  	_ =	shalt  }
0x53: {  	_ =	shalt  }
0x54: {  	_ =	shalt  }
0x55: {  	_ =	shalt  }
0x56: {  	_ =	shalt  }
0x57: {  	_ =	shalt  }
0x58: {  	_ =	shalt  }
0x59: {  	_ =	shalt  }
0x5a: {  	_ =	shalt  }
0x5b: {  	_ =	shalt  }
0x5c: {  	_ =	shalt  }
0x5d: {  	_ =	shalt  }
0x5e: {  	_ =	shalt  }
0x5f: {  	_ =	shalt  }
0x60: {  	_ =	shalt  }
0x61: {  	_ =	shalt  }
0x62: {  	_ =	shalt  }
0x63: {  	_ =	shalt  }
0x64: {  	_ =	shalt  }
0x65: {  	_ =	shalt  }
0x66: {  	_ =	shalt  }
0x67: {  	_ =	shalt  }
0x68: {  	_ =	shalt  }
0x69: {  	_ =	shalt  }
0x6a: {  	_ =	shalt  }
0x6b: {  	_ =	shalt  }
0x6c: {  	_ =	shalt  }
0x6d: {  	_ =	shalt  }
0x6e: {  	_ =	shalt  }
0x6f: {  	_ =	shalt  }
0x70: {  	_ =	shalt  }
0x71: {  	_ =	shalt  }
0x72: {  	_ =	shalt  }
0x73: {  	_ =	shalt  }
0x74: {  	_ =	shalt  }
0x75: {  	_ =	shalt  }
0x76: {  	_ =	shalt  }
0x77: {  	_ =	shalt  }
0x78: {  	_ =	shalt  }
0x79: {  	_ =	shalt  }
0x7a: {  	_ =	shalt  }
0x7b: {  	_ =	shalt  }
0x7c: {  	_ =	shalt  }
0x7d: {  	_ =	shalt  }
0x7e: {  	_ =	shalt  }
0x7f: {  	_ =	shalt  }
0x80: {  	_ =	shalt  }
0x81: {  	_ =	shalt  }
0x82: {  	_ =	shalt  }
0x83: {  	_ =	shalt  }
0x84: {  	_ =	shalt  }
0x85: {  	_ =	shalt  }
0x86: {  	_ =	shalt  }
0x87: {  	_ =	shalt  }
.Lfunc_end0:
.L_simem_size_0:
called_computation.3_lowered:
.L_overlay_start_0:
0x88: {  	s2 =	sld [smem:$0x3FD9]  }
0x89: {  	s3 =	sld [smem:$0x3FFE];
	_ =	sdelay $0x1  }
0x8a: {  	s1 =	srdreg.scid  }
0x8b: {  	s0 =	sand.u32 $0x1, s1  }
0x8c: {  	s14 =	sshll.u32 s0, $0xA;
	s2 =	sadd.s32 s3, s2  }
0x8d: {  	s2 =	sadd.s32 s2, s14  }
0x8e: {  	[smem:$0x3F93] =	sst s2  }
0x8f: {  	_ = 	snop  }
0x90: {  	s2 =	sld [smem:$0x3FD0];
	_ =	sdelay $0x2  }
0x91: {  	s15 =	simm.s32 $0xC;
	s4 =	simm.s32 $0x10  }
0x92: {  	[smem:s4], [sflag:s15] =	dma.local [hbm:s2], $0x1  }
0x93: {  	_ =	swait.eq [sflag:s15], $0x1  }
0x94: {  	[sflag:s15] =	ssyncset.done $0x0  }
0x95: {  	[sflag:s15] =	ssyncadd.s32 $0xFFFFFFFF  }
0x96: {  	s16 =	sld [smem:$0x10];
	(tm) =	ssettm $0x1  }
0x97: {  	s17 =	sld [smem:$0x3FFB];
	_ =	sdelay $0x3  }
0x98: {  	_ =	strace s17  }
0x99: {  	s3 =	sld [smem:$0x3FFC];
	_ =	sdelay $0x3  }
0x9a: {  	_ =	strace s3  }
0x9b: {  	s3 =	sld [smem:$0x3FFD];
	_ =	sdelay $0x3  }
0x9c: {  	_ =	strace s3  }
0x9d: {  	_ =	strace $0x8FFFFFFF  }
0x9e: {  	s18 =	sld [smem:$0x3FDB];
	_ =	sdelay $0x1  }
0x9f: {  	s19 =	simm.s32 $_scs_section_size  }
0xa0: {  	s5 =	simm.s32 $_size__tile_overlayer_lowered;
	s6 =	simm.s32 $_tile_overlayer_lowered  }
0xa1: {  	s22 =	simm.s32 $0x1BFF;
	s21 =	sshll.u32 s6, $0x1;
	s3 =	sadd.s32 s19, s18  }
0xa2: {  	s7 =	simm.s32 $0x0;
	s20 =	sshll.u32 s5, $0x1;
	s5 =	sadd.s32 s21, s3  }
0xa3: {  	[timem:s7], [sflag:s22] =	dma.local [hbm:s5], s20  }
0xa4: {  	_ =	swait.ge [sflag:s22], s20  }
0xa5: {  	s4 =	ssub.s32 $0x0, s20;
	[sflag:s22] =	ssyncset.done $0x0  }
0xa6: {  	[sflag:s22] =	ssyncadd.s32 s4;
	_ =	sdelay $0x1  }
0xa7: {  	s23 =	simm.s32 $0x1B8B  }
0xa8: {  	_ =	swait.ge [sflag:s23], $0x1  }
0xa9: {  	[sflag:s23] =	ssyncset.done $0x0  }
0xaa: {  	s25 =	simm.s32 $0x1B8E;
	s24 =	sld [smem:$0x3FFE];
	[sflag:s23] =	ssyncadd.s32 $0xFFFFFFFF  }
0xab: {  	s26 =	simm.s32 $execute0_lowered;
	[smem:$0x3FD2] =	sst s25  }
0xac: {  	s5 =	sshll.u32 s26, $0x1;
	_ =	strace $0x80000049;
	[dreg:$0x1] =	wrdreg $0xFFFFFFFF  }
0xad: {  	s28 =	simm.s32 $_size_execute0_lowered;
	s3 =	sadd.s32 s3, s5;
	[dreg:$0x0] =	wrdreg $0x0  }
0xae: {  	s5 =	sshll.u32 s28, $0x1;
	[dreg:$0x2] =	wrdreg s3  }
0xaf: {  	[dreg:$0x3] =	wrdreg s5  }
0xb0: {  	[dreg:$0x4] =	wrdreg $0xC0  }
0xb1: {  	_ =	task [dreg:s7], $0x5FFFF  }
0xb2: {  	[dreg:$0x1] =	wrdreg $0xFFFFFFFF  }
0xb3: {  	[dreg:$0x0] =	wrdreg $0x60  }
0xb4: {  	[dreg:$0x2] =	wrdreg s24  }
0xb5: {  	[dreg:$0x3] =	wrdreg s16  }
0xb6: {  	[dreg:$0x4] =	wrdreg $0xB  }
0xb7: {  	_ =	task.clear_ibuf [dreg:s7], $0x5FFFF;
	_ =	strace $0x90000049  }
0xb8: {  	s29 =	simm.s32 $0xB;
	_ =	strace $0x8000004B  }
0xb9: {  	_ =	swait.ge [sflag:s29], $0x1  }
0xba: {  	[sflag:s29] =	ssyncadd.s32 $0xFFFFFFFF  }
0xbb: {  	_ =	strace $0x9000004B  }
0xbc: {  	_ =	sfence  }
0xbd: {  	s30 =	sld [smem:$0x0];
	_ =	sdelay $0x2  }
0xbe: {  	s31 =	sshll.u32 s1, $0xD;
	s1 =	sshrl.u32 s1, $0x2  }
0xbf: {  	s3 =	sand.u32 $0x4000, s31;
	s1 =	sadd.s32 s1, s30  }
0xc0: {  	s0 =	sor.u32 s3, s0;
	s1 =	sshll.u32 s1, $0x11  }
0xc1: {  	s0 =	sor.u32 s1, s0  }
0xc2: {  	s0 =	sadd.s32 $0x8F2B, s0  }
0xc3: {  	[sflag:s0] =	ssyncadd.remote.s32 $0x1  }
0xc4: {  	_ =	sfence.sel $0xFFFF  }
0xc5: {  	[dreg:$0x0] =	wrdreg $0xFFFFFFFF;
	(pc) =	sbr.abs _section_cstart, $3  }
0xc6: {  	[dreg:$0x1] =	wrdreg $0xFFFFFFFF  }
0xc7: {  	_ =	task.clear_ibuf [dreg:s7], $0x2FFFF;
	_ =	strace $0x9FFFFFFF  }
0xc8: {  	(tm) =	ssettm $0x7FFFFFFF  }
0xc9: {  	_ =	shalt  }
tec
execute0_lowered:
.L_overlay_start_1:
0x0: {  	(tag) =	ssettag $0x1  }
0x1: {  	s7 =	rddreg [dreg:$0x0]  }
0x2: {  	s2 =	rddreg [dreg:$0x1]  }
0x3: {  	s0 =	rddreg [dreg:$0x2]  }
0x4: {  	s1 =	srdreg.scid;
	_ =	strace $0x8000004A;
	s4 =	simm.s32 $0x1  }
0x5: {  	s9 =	simm.s32 $0x3;
	s12 =	simm.s32 $0x0;
	s5 =	sshll.u32 s1, $0x4  }
.Ltmp0:
0x6: {  	s1 =	stileid.u32;
	s5 =	sand.u32 $0x10, s5;
	(pc) =	sbr.rel .LBB2_1-.Ltmp0, $4  }
0x7: {  	s10 =	simm.s32 $0x0;
	s3 =	sadd.s32 $0x124400, s7;
	s6 =	sor.u32 s1, s5  }
0x8: {  	[sflag:s4] =	ssyncpa.u1 $0x0;
	s5 =	simm.s32 $0x2;
	s6 =	sshll.u32 s6, $0x6  }
0x9: {  	s7 =	sadd.s32 $0x83000, s7;
	[sflag:s5] =	ssyncpa.u1 $0x0;
	s8 =	sadd.s32 $0x40, s6  }
0xa: {  	vm0 =	vmmov $0xff;
	vm1 =	vcmask $0x3F20;
	[sflag:s9] =	ssyncpa.u1 $0x0;
	s9 =	simm.s32 $0x40;
	s11 =	smov.u32 s6  }
.LBB2_9:
0xb: {  	p0 =	seq.s32 s10, $0x2  }
.Ltmp1:
0xc: {  	_ = 	snop;
	(pc) =	sbr.rel @p0 .LBB2_11-.Ltmp1, $1  }
0xd: {  	_ =	sdelay $0x3  }
.LBB2_10:
0xe: {  	s12 =	sadd.s32 $0x40, s11  }
0xf: {  	s13 =	smov.u32 s6;
	p0 =	slt.s32 s12, s8  }
0x10: {  	s13 =	smov.u32 @p0 s12  }
0x11: {  	s10 =	sadd.s32 $0x1, s10;
	s12 =	smov.u32 s11;
	s11 =	smov.u32 s13  }
.LBB2_1:
0x12: {  	p0 =	sne.s32 s10, $0x0  }
.Ltmp2:
0x13: {  	_ = 	snop;
	(pc) =	sbr.rel @!p0 .LBB2_2-.Ltmp2, $1  }
0x14: {  	_ =	sdelay $0x3  }
0x15: {  	s13 =	sand.u32 $0x1, s10  }
0x16: {  	p0 =	seq.s32 s13, $0x0  }
.Ltmp3:
0x17: {  	_ = 	snop;
	(pc) =	sbr.rel @p0 .LBB2_9-.Ltmp3, $1  }
0x18: {  	_ =	sdelay $0x3  }
0x19: {  	_ =	swait.ge [sflag:s5], $0x40  }
0x1a: {  	[sflag:s5] =	ssyncset.done $0x0  }
0x1b: {  	s13 =	simm.s32 $0x0;
	[sflag:s5] =	ssyncadd.s32 $0xFFFFFFC0  }
0x1c: {  	v0 =	vld.msk [tilespmem:s13+$0x40 ss:$0x1], $0xffff;
	_ =	sdelay $0x4  }
0x1d: {  	v1 =	vshll.u32 v0, $0x4  }
0x1e: {  	vm2 =	veq.s32 v0, $0x80000000;
	v0 =	vshll.u32 v0, $0x11;
	v1 =	vand.u32 $0x1FF80, v1  }
0x1f: {  	v0 =	vand.u32 $0xE0000, v0;
	v1 =	vsel vm2, $0xFFFFFF80, v1  }
0x20: {  	v0 =	vsel vm2, $0xFFFE0000, v0;
	v2 =	vand.u32 $0xFFFFFC00, v1  }
0x21: {  	v1 =	vand.u32 $0x380, v1;
	v0 =	vadd.s32 v0, v2  }
0x22: {  	v0 =	vor.u32 v1, v0  }
0x23: {  	v0 =	vshrl.u32 v0, $0x3;
	_ =	sdelay $0x3  }
0x24: {  	s13 =	simm.s32 $0x2080  }
0x25: {  	[tilespmem:s13], [sflag:$0x1] =	stream.indirect_vreg.gather [hbm:s3], $0x80, v0, vm0, $0x38;
	[tilespmem:$0x4080] =	vst v63  }
0x26: {  	s14 =	simm.s32 $0x2480;
	s31 =	simm.s32 $0x10  }
0x27: {  	[tilespmem:s14], [sflag:$0x1] =	stream.indirect_vreg.gather [hbm:s3], $0x80, v0, vm1, $0x38;
	[tilespmem:$0x4080] =	vst v63  }
0x28: {  	s14 =	simm.s32 $0x80;
	v0 =	vld.msk [tilespmem:s31+$0x40 ss:$0x1], $0xffff  }
.LBB2_5:
0x29: {  	p0 =	sne.s32 s14, $0xC0;
	_ =	sdelay $0x4  }
0x2a: {  	v1 =	vshll.u32 v0, $0x4  }
0x2b: {  	vm2 =	veq.s32 v0, $0x80000000;
	v0 =	vshll.u32 v0, $0x11;
	v1 =	vand.u32 $0x1FF80, v1  }
0x2c: {  	v0 =	vand.u32 $0xE0000, v0;
	v1 =	vsel vm2, $0xFFFFFF80, v1  }
0x2d: {  	v0 =	vsel vm2, $0xFFFE0000, v0;
	v2 =	vand.u32 $0xFFFFFC00, v1  }
0x2e: {  	v1 =	vand.u32 $0x380, v1;
	v0 =	vadd.s32 v0, v2  }
0x2f: {  	v0 =	vor.u32 v1, v0  }
0x30: {  	v0 =	vshrl.u32 v0, $0x3;
	_ =	sdelay $0x3  }
.Ltmp4:
0x31: {  	s13 =	sadd.s32 $0x800, s13;
	(pc) =	sbr.rel @p0 .LBB2_5-.Ltmp4, $4  }
0x32: {  	[tilespmem:s13], [sflag:$0x1] =	stream.indirect_vreg.gather [hbm:s3], $0x80, v0, vm0, $0x38;
	[tilespmem:$0x4080] =	vst v63  }
0x33: {  	s15 =	sshra.s32 s14, $0x2;
	s16 =	sadd.s32 $0x400, s13  }
0x34: {  	[tilespmem:s16], [sflag:$0x1] =	stream.indirect_vreg.gather [hbm:s3], $0x80, v0, vm1, $0x38;
	[tilespmem:$0x4080] =	vst v63  }
0x35: {  	s14 =	sadd.s32 $0x40, s14;
	v0 =	vld.msk [tilespmem:s15+$0x40 ss:$0x1], $0xffff  }
0x36: {  	_ =	sdelay $0x3  }
0x37: {  	v1 =	vshll.u32 v0, $0x4  }
0x38: {  	vm2 =	veq.s32 v0, $0x80000000;
	v63 =	vshll.u32 v0, $0x11;
	v1 =	vand.u32 $0x1FF80, v1  }
0x39: {  	v0 =	vand.u32 $0xE0000, v63;
	v1 =	vsel vm2, $0xFFFFFF80, v1  }
0x3a: {  	v0 =	vsel vm2, $0xFFFE0000, v0;
	v2 =	vand.u32 $0xFFFFFC00, v1  }
0x3b: {  	v1 =	vand.u32 $0x380, v1;
	v0 =	vadd.s32 v0, v2  }
0x3c: {  	v0 =	vor.u32 v1, v0  }
0x3d: {  	v0 =	vshrl.u32 v0, $0x3;
	_ =	sdelay $0x3  }
0x3e: {  	s13 =	sadd.s32 $0x800, s13  }
0x3f: {  	[tilespmem:s13], [sflag:$0x1] =	stream.indirect_vreg.gather [hbm:s3], $0x80, v0, vm0, $0x38;
	[tilespmem:$0x4080] =	vst v63  }
0x40: {  	s13 =	sadd.s32 $0x400, s13  }
0x41: {  	[tilespmem:s13], [sflag:$0x1] =	stream.indirect_vreg.gather [hbm:s3], $0x80, v0, vm1, $0x38;
	[tilespmem:$0x4080] =	vst v63  }
0x42: {  	s12 =	sshll.u32 s12, $0x4;
	s14 =	simm.s32 $0x80;
	_ =	swait.ge [sflag:s4], $0x2000  }
0x43: {  	s15 =	simm.s32 $0x2480;
	s12 =	sadd.s32 s12, s7;
	[sflag:s4] =	ssyncset.done $0x0  }
0x44: {  	s16 =	sadd.s32 $0x0, s12;
	s13 =	simm.s32 $0x2080;
	[sflag:s4] =	ssyncadd.s32 $0xFFFFE000  }
.LBB2_7:
0x45: {  	[hbm:s16] =	stream.linear.scatter [tilespmem:s13], [sflag:$0x3], $0x400, $0x38;
	[tilespmem:$0x4080] =	vst v63  }
0x46: {  	s16 =	smov.u32 s14;
	s13 =	smov.u32 s15;
	p0 =	sne.s32 s14, $0x380  }
.Ltmp5:
0x47: {  	s14 =	sadd.s32 $0x80, s14;
	(pc) =	sbr.rel @p0 .LBB2_7-.Ltmp5, $2  }
0x48: {  	_ =	sdelay $0x2  }
0x49: {  	s15 =	sadd.s32 $0x400, s15;
	s16 =	sadd.s32 s16, s12  }
.Ltmp6:
0x4a: {  	(pc) =	sbr.rel .LBB2_9-.Ltmp6, $2  }
0x4b: {  	_ =	sdelay $0x2  }
0x4c: {  	[hbm:s16] =	stream.linear.scatter [tilespmem:s13], [sflag:$0x3], $0x400, $0x38;
	[tilespmem:$0x4080] =	vst v63  }
.LBB2_2:
.Ltmp7:
0x4d: {  	(pc) =	sbr.rel .LBB2_10-.Ltmp7, $4  }
0x4e: {  	_ = 	snop  }
0x4f: {  	s12 =	sshrl.u32 s11, $0x3  }
0x50: {  	s13 =	sand.u32 $0x7, s11;
	s12 =	sadd.s32 s2, s12  }
0x51: {  	[tilespmem:s9], [sflag:$0x2] =	stream.linear.gather [hbm4b:s12+s13], $0x40, $0x38;
	[tilespmem:$0x4080] =	vst v63  }
.LBB2_11:
0x52: {  	s2 =	simm.s32 $0x3  }
0x53: {  	_ =	swait.ge [sflag:s2], $0x2000  }
0x54: {  	[sflag:s2] =	ssyncset.done $0x0  }
0x55: {  	[sflag:s2] =	ssyncadd.s32 $0xFFFFE000  }
0x56: {  	_ =	sfence.sel $0x180000  }
0x57: {  	s3 =	simm.s32 $0x2;
	[bflag:$0x0] =	sbarrier.arrive $0xFFFF  }
0x58: {  	[sflag:s3] =	ssyncpa.u1 $0x1  }
0x59: {  	s31 =	simm.s32 $0x1;
	[sflag:s2] =	ssyncpa.u1 $0x1  }
0x5a: {  	[sflag:s31] =	ssyncpa.u1 $0x1  }
0x5b: {  	p0 =	sne.s32 s1, $0x0;
	_ =	strace $0x9000004A  }
0x5c: {  	s0 =	sadd.s32 @!p0 $0x100000, s0;
	[bflag:$0x2] =	sbarrier.arrive $0xFFFF  }
0x5d: {  	[sflag:s0] =	ssyncadd.tile.s32 @!p0 $0x1;
	_ =	shalt  }
.Lfunc_end2:
_tile_overlayer_lowered:
.L_overlay_start_2:
0x5e: {  	(tag) =	ssettag $0x2  }
0x5f: {  	s0 =	rddreg [dreg:$0x0];
	s2 =	stileid.u32  }
0x60: {  	s1 =	rddreg [dreg:$0x1];
	p0 =	sne.s32 s2, $0x0  }
0x61: {  	s3 =	rddreg [dreg:$0x2];
	[bflag:$0x3] =	sbarrier.arrive $0xFFFF;
	s2 =	simm.s32 @!p0 $0x1C01  }
0x62: {  	[timem:s3], [sflag:s2] =	dma.local @!p0 [hbm:s0], s1  }
0x63: {  	s0 =	simm.s32 @!p0 $0x1  }
0x64: {  	_ =	swait.ge @!p0 [sflag:s0], s1  }
0x65: {  	s1 =	ssub.s32 @!p0 $0x0, s1;
	[sflag:s0] =	ssyncset.done @!p0 $0x0  }
0x66: {  	[sflag:s0] =	ssyncadd.s32 @!p0 s1  }
0x67: {  	[bflag:$0x3] =	sbarrier.arrive $0xFFFF  }
0x68: {  	_ =	shalt  }

// kernel: gather_offload_async_start
scs
__scs_entry_jumppad:
0x0: {  	(pc) =	sbr.rel $0x88, $3  }
0x1: {  	(tag) =	ssettag $0x0;
	lr =	simm.s32 $0x1  }
0x2: {  	[smem:$0x3F6C] =	sst lr;
	_ =	strace $0xD0000000  }
0x3: {  	_ = 	snop  }
0x4: {  	_ = 	snop  }
0x5: {  	_ = 	snop  }
0x6: {  	_ = 	snop  }
0x7: {  	_ = 	snop  }
__scs_overlays_trampoline_lowered:
0x8: {  	[smem:$0x3F7B] =	sst s0  }
0x9: {  	[smem:$0x3F7C] =	sst s1  }
0xa: {  	[smem:$0x3F7D] =	sst s2  }
0xb: {  	[smem:$0x3F7E] =	sst s3  }
0xc: {  	[smem:$0x3F7F] =	sst s4  }
0xd: {  	[smem:$0x3F80] =	sst s5  }
0xe: {  	[smem:$0x3F81] =	sst s6  }
0xf: {  	[smem:$0x3F82] =	sst s7  }
0x10: {  	[smem:$0x3F83] =	sst s8  }
0x11: {  	[smem:$0x3F84] =	sst s9;
	s0 =	simm.s32 @!p0 $0x0  }
0x12: {  	s1 =	sld [smem:$0x3F6A];
	s0 =	simm.s32 @p0 $0x1  }
0x13: {  	[smem:$0x3F85] =	sst s0;
	s0 =	simm.s32 @!p1 $0x0  }
0x14: {  	s2 =	sld [smem:$0x3F69];
	s0 =	simm.s32 @p1 $0x1  }
0x15: {  	[smem:$0x3F86] =	sst s0;
	s0 =	simm.s32 @!p2 $0x0  }
0x16: {  	s3 =	sld [smem:$0x3FDB];
	s0 =	simm.s32 @p2 $0x1  }
0x17: {  	s4 =	simm.s32 $0x1BF5;
	[smem:$0x3F88] =	sst s0  }
0x18: {  	s0 =	sld [smem:$0x3F6B];
	_ =	swait.ge [sflag:s4], $0x0  }
0x19: {  	s7 =	sld [smem:$0x3F6C]  }
0x1a: {  	s8 =	sadd.s32 $0xFFFFE003, lr  }
0x1b: {  	s9 =	sadd.s32 $0xFFFFFEF7, lr;
	s5 =	simm.s32 $0xFFFFFFFF;
	p2 =	slt.u32 s8, $0xFFFFF086  }
0x1c: {  	p1 =	slt.u32 s9, $0xF7A;
	s5 =	simm.s32 @!p2 $0x0  }
0x1d: {  	s5 =	simm.s32 @p1 $0x1;
	p0 =	seq.s32 s7, s2  }
0x1e: {  	s7 =	smul.u32 @!p0 $0xF7A, s2;
	p2 =	seq.s32 @!p0 s5, $0x0  }
0x1f: {  	s9 =	smul.u32 $0xF7A, s1;
	s8 =	simm.s32 @!p0 $0x1BF5;
	p2 =	por !p2, p0  }
0x20: {  	[sflag:s8] =	ssyncset.s32 @!p0 $0xFFFFF086;
	s6 =	sadd.s32 @!p0 s3, s7;
	s7 =	simm.s32 @!p0 $0x108  }
0x21: {  	s3 =	sadd.s32 s3, s9;
	s6 =	sadd.s32 @!p0 $0x88, s6;
	s7 =	simm.s32 @p2 $0x1082  }
0x22: {  	[simem:s7], [sflag:s8] =	dma.local @!p0 [hbm:s6], $0xF7A  }
0x23: {  	s9 =	sor.u32 $0xD0000000, s2;
	s6 =	simm.s32 $0x108;
	_ =	swait.ge @!p0 [sflag:s8], $0x0  }
0x24: {  	s3 =	sadd.s32 $0x88, s3;
	s6 =	simm.s32 @!p1 $0x1082;
	[sflag:s4] =	ssyncset.s32 $0xFFFFF086  }
0x25: {  	[simem:s6], [sflag:s4] =	dma.local [hbm:s3], $0xF7A  }
0x26: {  	[smem:$0x3F6C] =	sst s1;
	(tag) =	ssettag s2;
	_ =	strace s9  }
0x27: {  	s1 =	sld [smem:$0x3F7C]  }
0x28: {  	s2 =	sld [smem:$0x3F7D]  }
0x29: {  	s4 =	sld [smem:$0x3F7F]  }
0x2a: {  	p0 =	seq.s32 s5, $0x0;
	s5 =	sld [smem:$0x3F80]  }
0x2b: {  	s6 =	sld [smem:$0x3F81]  }
0x2c: {  	s7 =	sld [smem:$0x3F82]  }
0x2d: {  	s3 =	simm.s32 $0x108;
	s8 =	sld [smem:$0x3F83]  }
0x2e: {  	s3 =	simm.s32 @!p0 $0x1082;
	s9 =	sld [smem:$0x3F84]  }
0x2f: {  	lr =	sadd.s32 s0, s3;
	s0 =	sld [smem:$0x3F7B]  }
0x30: {  	s3 =	sld [smem:$0x3F7E]  }
0x31: {  	[smem:$0x3F87] =	sst s10  }
0x32: {  	s10 =	sld [smem:$0x3F85];
	_ =	sdelay $0x3  }
0x33: {  	p0 =	seq.s32 s10, $0x1;
	s10 =	sld [smem:$0x3F87];
	_ =	sdelay $0x3  }
0x34: {  	[smem:$0x3F87] =	sst s10  }
0x35: {  	s10 =	sld [smem:$0x3F86];
	_ =	sdelay $0x3  }
0x36: {  	p1 =	seq.s32 s10, $0x1;
	s10 =	sld [smem:$0x3F87];
	_ =	sdelay $0x3  }
0x37: {  	[smem:$0x3F87] =	sst s10  }
0x38: {  	s10 =	sld [smem:$0x3F88]  }
0x39: {  	_ = 	snop;
	(pc) =	sbr.ind lr, $3  }
0x3a: {  	_ = 	snop  }
0x3b: {  	_ = 	snop  }
0x3c: {  	p2 =	seq.s32 s10, $0x1;
	s10 =	sld [smem:$0x3F87]  }
0x3d: {  	_ =	shalt  }
0x3e: {  	_ =	shalt  }
0x3f: {  	_ =	shalt  }
0x40: {  	_ =	shalt  }
0x41: {  	_ =	shalt  }
0x42: {  	_ =	shalt  }
0x43: {  	_ =	shalt  }
0x44: {  	_ =	shalt  }
0x45: {  	_ =	shalt  }
0x46: {  	_ =	shalt  }
0x47: {  	_ =	shalt  }
0x48: {  	_ =	shalt  }
0x49: {  	_ =	shalt  }
0x4a: {  	_ =	shalt  }
0x4b: {  	_ =	shalt  }
0x4c: {  	_ =	shalt  }
0x4d: {  	_ =	shalt  }
0x4e: {  	_ =	shalt  }
0x4f: {  	_ =	shalt  }
0x50: {  	_ =	shalt  }
0x51: {  	_ =	shalt  }
0x52: {  	_ =	shalt  }
0x53: {  	_ =	shalt  }
0x54: {  	_ =	shalt  }
0x55: {  	_ =	shalt  }
0x56: {  	_ =	shalt  }
0x57: {  	_ =	shalt  }
0x58: {  	_ =	shalt  }
0x59: {  	_ =	shalt  }
0x5a: {  	_ =	shalt  }
0x5b: {  	_ =	shalt  }
0x5c: {  	_ =	shalt  }
0x5d: {  	_ =	shalt  }
0x5e: {  	_ =	shalt  }
0x5f: {  	_ =	shalt  }
0x60: {  	_ =	shalt  }
0x61: {  	_ =	shalt  }
0x62: {  	_ =	shalt  }
0x63: {  	_ =	shalt  }
0x64: {  	_ =	shalt  }
0x65: {  	_ =	shalt  }
0x66: {  	_ =	shalt  }
0x67: {  	_ =	shalt  }
0x68: {  	_ =	shalt  }
0x69: {  	_ =	shalt  }
0x6a: {  	_ =	shalt  }
0x6b: {  	_ =	shalt  }
0x6c: {  	_ =	shalt  }
0x6d: {  	_ =	shalt  }
0x6e: {  	_ =	shalt  }
0x6f: {  	_ =	shalt  }
0x70: {  	_ =	shalt  }
0x71: {  	_ =	shalt  }
0x72: {  	_ =	shalt  }
0x73: {  	_ =	shalt  }
0x74: {  	_ =	shalt  }
0x75: {  	_ =	shalt  }
0x76: {  	_ =	shalt  }
0x77: {  	_ =	shalt  }
0x78: {  	_ =	shalt  }
0x79: {  	_ =	shalt  }
0x7a: {  	_ =	shalt  }
0x7b: {  	_ =	shalt  }
0x7c: {  	_ =	shalt  }
0x7d: {  	_ =	shalt  }
0x7e: {  	_ =	shalt  }
0x7f: {  	_ =	shalt  }
0x80: {  	_ =	shalt  }
0x81: {  	_ =	shalt  }
0x82: {  	_ =	shalt  }
0x83: {  	_ =	shalt  }
0x84: {  	_ =	shalt  }
0x85: {  	_ =	shalt  }
0x86: {  	_ =	shalt  }
0x87: {  	_ =	shalt  }
.Lfunc_end0:
.L_simem_size_0:
called_computation.2_lowered:
.L_overlay_start_0:
0x88: {  	s2 =	sld [smem:$0x3FD9]  }
0x89: {  	s3 =	sld [smem:$0x3FFE];
	_ =	sdelay $0x1  }
0x8a: {  	s1 =	srdreg.scid  }
0x8b: {  	s0 =	sand.u32 $0x1, s1  }
0x8c: {  	s14 =	sshll.u32 s0, $0xA;
	s2 =	sadd.s32 s3, s2  }
0x8d: {  	s2 =	sadd.s32 s2, s14  }
0x8e: {  	[smem:$0x3F93] =	sst s2  }
0x8f: {  	_ = 	snop  }
0x90: {  	s2 =	sld [smem:$0x3FD0];
	_ =	sdelay $0x2  }
0x91: {  	s15 =	simm.s32 $0xC;
	s4 =	simm.s32 $0x10  }
0x92: {  	[smem:s4], [sflag:s15] =	dma.local [hbm:s2], $0x1  }
0x93: {  	_ =	swait.eq [sflag:s15], $0x1  }
0x94: {  	[sflag:s15] =	ssyncset.done $0x0  }
0x95: {  	[sflag:s15] =	ssyncadd.s32 $0xFFFFFFFF  }
0x96: {  	s16 =	sld [smem:$0x10];
	(tm) =	ssettm $0x1  }
0x97: {  	s17 =	sld [smem:$0x3FFB];
	_ =	sdelay $0x3  }
0x98: {  	_ =	strace s17  }
0x99: {  	s3 =	sld [smem:$0x3FFC];
	_ =	sdelay $0x3  }
0x9a: {  	_ =	strace s3  }
0x9b: {  	s3 =	sld [smem:$0x3FFD];
	_ =	sdelay $0x3  }
0x9c: {  	_ =	strace s3  }
0x9d: {  	_ =	strace $0x8FFFFFFF  }
0x9e: {  	s18 =	sld [smem:$0x3FDB];
	_ =	sdelay $0x1  }
0x9f: {  	s19 =	simm.s32 $_scs_section_size  }
0xa0: {  	s5 =	simm.s32 $_size__tile_overlayer_lowered;
	s6 =	simm.s32 $_tile_overlayer_lowered  }
0xa1: {  	s22 =	simm.s32 $0x1BFF;
	s21 =	sshll.u32 s6, $0x1;
	s3 =	sadd.s32 s19, s18  }
0xa2: {  	s7 =	simm.s32 $0x0;
	s20 =	sshll.u32 s5, $0x1;
	s5 =	sadd.s32 s21, s3  }
0xa3: {  	[timem:s7], [sflag:s22] =	dma.local [hbm:s5], s20  }
0xa4: {  	_ =	swait.ge [sflag:s22], s20  }
0xa5: {  	s4 =	ssub.s32 $0x0, s20;
	[sflag:s22] =	ssyncset.done $0x0  }
0xa6: {  	[sflag:s22] =	ssyncadd.s32 s4;
	_ =	sdelay $0x1  }
0xa7: {  	s23 =	simm.s32 $0x1B8B  }
0xa8: {  	_ =	swait.ge [sflag:s23], $0x1  }
0xa9: {  	[sflag:s23] =	ssyncset.done $0x0  }
0xaa: {  	s25 =	simm.s32 $0x1B8E;
	s24 =	sld [smem:$0x3FFE];
	[sflag:s23] =	ssyncadd.s32 $0xFFFFFFFF  }
0xab: {  	s26 =	simm.s32 $execute0_lowered;
	[smem:$0x3FD2] =	sst s25  }
0xac: {  	s5 =	sshll.u32 s26, $0x1;
	_ =	strace $0x80000046;
	[dreg:$0x1] =	wrdreg $0xFFFFFFFF  }
0xad: {  	s28 =	simm.s32 $_size_execute0_lowered;
	s3 =	sadd.s32 s3, s5;
	[dreg:$0x0] =	wrdreg $0x0  }
0xae: {  	s5 =	sshll.u32 s28, $0x1;
	[dreg:$0x2] =	wrdreg s3  }
0xaf: {  	[dreg:$0x3] =	wrdreg s5  }
0xb0: {  	[dreg:$0x4] =	wrdreg $0xC0  }
0xb1: {  	_ =	task [dreg:s7], $0x5FFFF  }
0xb2: {  	[dreg:$0x1] =	wrdreg $0xFFFFFFFF  }
0xb3: {  	[dreg:$0x0] =	wrdreg $0x60  }
0xb4: {  	[dreg:$0x2] =	wrdreg s24  }
0xb5: {  	[dreg:$0x3] =	wrdreg s16  }
0xb6: {  	[dreg:$0x4] =	wrdreg $0x9  }
0xb7: {  	_ =	task.clear_ibuf [dreg:s7], $0x5FFFF;
	_ =	strace $0x90000046  }
0xb8: {  	s29 =	simm.s32 $0x9;
	_ =	strace $0x80000048  }
0xb9: {  	_ =	swait.ge [sflag:s29], $0x1  }
0xba: {  	[sflag:s29] =	ssyncadd.s32 $0xFFFFFFFF  }
0xbb: {  	_ =	strace $0x90000048  }
0xbc: {  	_ =	sfence  }
0xbd: {  	s30 =	sld [smem:$0x0];
	_ =	sdelay $0x2  }
0xbe: {  	s31 =	sshll.u32 s1, $0xD;
	s1 =	sshrl.u32 s1, $0x2  }
0xbf: {  	s3 =	sand.u32 $0x4000, s31;
	s1 =	sadd.s32 s1, s30  }
0xc0: {  	s0 =	sor.u32 s3, s0;
	s1 =	sshll.u32 s1, $0x11  }
0xc1: {  	s0 =	sor.u32 s1, s0  }
0xc2: {  	s0 =	sadd.s32 $0x8F2B, s0  }
0xc3: {  	[sflag:s0] =	ssyncadd.remote.s32 $0x1  }
0xc4: {  	_ =	sfence.sel $0xFFFF  }
0xc5: {  	[dreg:$0x0] =	wrdreg $0xFFFFFFFF;
	(pc) =	sbr.abs _section_cstart, $3  }
0xc6: {  	[dreg:$0x1] =	wrdreg $0xFFFFFFFF  }
0xc7: {  	_ =	task.clear_ibuf [dreg:s7], $0x2FFFF;
	_ =	strace $0x9FFFFFFF  }
0xc8: {  	(tm) =	ssettm $0x7FFFFFFF  }
0xc9: {  	_ =	shalt  }
tec
execute0_lowered:
.L_overlay_start_1:
0x0: {  	(tag) =	ssettag $0x1  }
0x1: {  	s7 =	rddreg [dreg:$0x0]  }
0x2: {  	s2 =	rddreg [dreg:$0x1]  }
0x3: {  	s0 =	rddreg [dreg:$0x2]  }
0x4: {  	s1 =	srdreg.scid;
	_ =	strace $0x80000047;
	s4 =	simm.s32 $0x1  }
0x5: {  	s9 =	simm.s32 $0x3;
	s12 =	simm.s32 $0x0;
	s5 =	sshll.u32 s1, $0x4  }
.Ltmp0:
0x6: {  	s1 =	stileid.u32;
	s5 =	sand.u32 $0x10, s5;
	(pc) =	sbr.rel .LBB2_1-.Ltmp0, $4  }
0x7: {  	s10 =	simm.s32 $0x0;
	s3 =	sadd.s32 $0x800, s7;
	s6 =	sor.u32 s1, s5  }
0x8: {  	[sflag:s4] =	ssyncpa.u1 $0x0;
	s5 =	simm.s32 $0x2;
	s6 =	sshll.u32 s6, $0x8  }
0x9: {  	s7 =	sadd.s32 $0x81E00, s7;
	[sflag:s5] =	ssyncpa.u1 $0x0;
	s8 =	sadd.s32 $0x100, s6  }
0xa: {  	vm0 =	vmmov $0xff;
	vm1 =	vcmask $0x3F20;
	[sflag:s9] =	ssyncpa.u1 $0x0;
	s9 =	simm.s32 $0x100;
	s11 =	smov.u32 s6  }
.LBB2_9:
0xb: {  	p0 =	seq.s32 s10, $0x2  }
.Ltmp1:
0xc: {  	_ = 	snop;
	(pc) =	sbr.rel @p0 .LBB2_11-.Ltmp1, $1  }
0xd: {  	_ =	sdelay $0x3  }
.LBB2_10:
0xe: {  	s12 =	sadd.s32 $0x100, s11  }
0xf: {  	s13 =	smov.u32 s6;
	p0 =	slt.s32 s12, s8  }
0x10: {  	s13 =	smov.u32 @p0 s12  }
0x11: {  	s10 =	sadd.s32 $0x1, s10;
	s12 =	smov.u32 s11;
	s11 =	smov.u32 s13  }
.LBB2_1:
0x12: {  	p0 =	sne.s32 s10, $0x0  }
.Ltmp2:
0x13: {  	_ = 	snop;
	(pc) =	sbr.rel @!p0 .LBB2_2-.Ltmp2, $1  }
0x14: {  	_ =	sdelay $0x3  }
0x15: {  	s13 =	sand.u32 $0x1, s10  }
0x16: {  	p0 =	seq.s32 s13, $0x0  }
.Ltmp3:
0x17: {  	_ = 	snop;
	(pc) =	sbr.rel @p0 .LBB2_9-.Ltmp3, $1  }
0x18: {  	_ =	sdelay $0x3  }
0x19: {  	_ =	swait.ge [sflag:s5], $0x100  }
0x1a: {  	[sflag:s5] =	ssyncset.done $0x0  }
0x1b: {  	s13 =	simm.s32 $0x0;
	[sflag:s5] =	ssyncadd.s32 $0xFFFFFF00  }
0x1c: {  	v0 =	vld.msk [tilespmem:s13+$0x100 ss:$0x1], $0xffff;
	_ =	sdelay $0x4  }
0x1d: {  	v1 =	vshll.u32 v0, $0x4  }
0x1e: {  	vm2 =	veq.s32 v0, $0x80000000;
	v0 =	vshll.u32 v0, $0x13;
	v1 =	vand.u32 $0x7FF80, v1  }
0x1f: {  	v0 =	vand.u32 $0x380000, v0;
	v1 =	vsel vm2, $0xFFFFFF80, v1  }
0x20: {  	v0 =	vsel vm2, $0xFFF80000, v0;
	v2 =	vand.u32 $0xFFFFFC00, v1  }
0x21: {  	v1 =	vand.u32 $0x380, v1;
	v0 =	vadd.s32 v0, v2  }
0x22: {  	v0 =	vor.u32 v1, v0  }
0x23: {  	v0 =	vshrl.u32 v0, $0x3;
	_ =	sdelay $0x3  }
0x24: {  	s13 =	simm.s32 $0x8200  }
0x25: {  	[tilespmem:s13], [sflag:$0x1] =	stream.indirect_vreg.gather [hbm:s3], $0x80, v0, vm0, $0x38;
	[tilespmem:$0x10200] =	vst v63  }
0x26: {  	s14 =	simm.s32 $0x8600;
	s31 =	simm.s32 $0x10  }
0x27: {  	[tilespmem:s14], [sflag:$0x1] =	stream.indirect_vreg.gather [hbm:s3], $0x80, v0, vm1, $0x38;
	[tilespmem:$0x10200] =	vst v63  }
0x28: {  	s14 =	simm.s32 $0x80;
	v0 =	vld.msk [tilespmem:s31+$0x100 ss:$0x1], $0xffff  }
.LBB2_5:
0x29: {  	p0 =	sne.s32 s14, $0x3C0;
	_ =	sdelay $0x4  }
0x2a: {  	v1 =	vshll.u32 v0, $0x4  }
0x2b: {  	vm2 =	veq.s32 v0, $0x80000000;
	v0 =	vshll.u32 v0, $0x13;
	v1 =	vand.u32 $0x7FF80, v1  }
0x2c: {  	v0 =	vand.u32 $0x380000, v0;
	v1 =	vsel vm2, $0xFFFFFF80, v1  }
0x2d: {  	v0 =	vsel vm2, $0xFFF80000, v0;
	v2 =	vand.u32 $0xFFFFFC00, v1  }
0x2e: {  	v1 =	vand.u32 $0x380, v1;
	v0 =	vadd.s32 v0, v2  }
0x2f: {  	v0 =	vor.u32 v1, v0  }
0x30: {  	v0 =	vshrl.u32 v0, $0x3;
	_ =	sdelay $0x3  }
.Ltmp4:
0x31: {  	s13 =	sadd.s32 $0x800, s13;
	(pc) =	sbr.rel @p0 .LBB2_5-.Ltmp4, $4  }
0x32: {  	[tilespmem:s13], [sflag:$0x1] =	stream.indirect_vreg.gather [hbm:s3], $0x80, v0, vm0, $0x38;
	[tilespmem:$0x10200] =	vst v63  }
0x33: {  	s15 =	sshra.s32 s14, $0x2;
	s16 =	sadd.s32 $0x400, s13  }
0x34: {  	[tilespmem:s16], [sflag:$0x1] =	stream.indirect_vreg.gather [hbm:s3], $0x80, v0, vm1, $0x38;
	[tilespmem:$0x10200] =	vst v63  }
0x35: {  	s14 =	sadd.s32 $0x40, s14;
	v0 =	vld.msk [tilespmem:s15+$0x100 ss:$0x1], $0xffff  }
0x36: {  	_ =	sdelay $0x3  }
0x37: {  	v1 =	vshll.u32 v0, $0x4  }
0x38: {  	vm2 =	veq.s32 v0, $0x80000000;
	v63 =	vshll.u32 v0, $0x13;
	v1 =	vand.u32 $0x7FF80, v1  }
0x39: {  	v0 =	vand.u32 $0x380000, v63;
	v1 =	vsel vm2, $0xFFFFFF80, v1  }
0x3a: {  	v0 =	vsel vm2, $0xFFF80000, v0;
	v2 =	vand.u32 $0xFFFFFC00, v1  }
0x3b: {  	v1 =	vand.u32 $0x380, v1;
	v0 =	vadd.s32 v0, v2  }
0x3c: {  	v0 =	vor.u32 v1, v0  }
0x3d: {  	v0 =	vshrl.u32 v0, $0x3;
	_ =	sdelay $0x3  }
0x3e: {  	s13 =	sadd.s32 $0x800, s13  }
0x3f: {  	[tilespmem:s13], [sflag:$0x1] =	stream.indirect_vreg.gather [hbm:s3], $0x80, v0, vm0, $0x38;
	[tilespmem:$0x10200] =	vst v63  }
0x40: {  	s13 =	sadd.s32 $0x400, s13  }
0x41: {  	[tilespmem:s13], [sflag:$0x1] =	stream.indirect_vreg.gather [hbm:s3], $0x80, v0, vm1, $0x38;
	[tilespmem:$0x10200] =	vst v63  }
0x42: {  	s12 =	sshll.u32 s12, $0x4;
	s14 =	simm.s32 $0x80;
	_ =	swait.ge [sflag:s4], $0x8000  }
0x43: {  	s15 =	simm.s32 $0x8600;
	s12 =	sadd.s32 s12, s7;
	[sflag:s4] =	ssyncset.done $0x0  }
0x44: {  	s16 =	sadd.s32 $0x0, s12;
	s13 =	simm.s32 $0x8200;
	[sflag:s4] =	ssyncadd.s32 $0xFFFF8000  }
.LBB2_7:
0x45: {  	[hbm:s16] =	stream.linear.scatter [tilespmem:s13], [sflag:$0x3], $0x400, $0x38;
	[tilespmem:$0x10200] =	vst v63  }
0x46: {  	s16 =	smov.u32 s14;
	s13 =	smov.u32 s15;
	p0 =	sne.s32 s14, $0xF80  }
.Ltmp5:
0x47: {  	s14 =	sadd.s32 $0x80, s14;
	(pc) =	sbr.rel @p0 .LBB2_7-.Ltmp5, $2  }
0x48: {  	_ =	sdelay $0x2  }
0x49: {  	s15 =	sadd.s32 $0x400, s15;
	s16 =	sadd.s32 s16, s12  }
.Ltmp6:
0x4a: {  	(pc) =	sbr.rel .LBB2_9-.Ltmp6, $2  }
0x4b: {  	_ =	sdelay $0x2  }
0x4c: {  	[hbm:s16] =	stream.linear.scatter [tilespmem:s13], [sflag:$0x3], $0x400, $0x38;
	[tilespmem:$0x10200] =	vst v63  }
.LBB2_2:
.Ltmp7:
0x4d: {  	(pc) =	sbr.rel .LBB2_10-.Ltmp7, $4  }
0x4e: {  	_ = 	snop  }
0x4f: {  	s12 =	sshrl.u32 s11, $0x3  }
0x50: {  	s13 =	sand.u32 $0x7, s11;
	s12 =	sadd.s32 s2, s12  }
0x51: {  	[tilespmem:s9], [sflag:$0x2] =	stream.linear.gather [hbm4b:s12+s13], $0x100, $0x38;
	[tilespmem:$0x10200] =	vst v63  }
.LBB2_11:
0x52: {  	s2 =	simm.s32 $0x3  }
0x53: {  	_ =	swait.ge [sflag:s2], $0x8000  }
0x54: {  	[sflag:s2] =	ssyncset.done $0x0  }
0x55: {  	[sflag:s2] =	ssyncadd.s32 $0xFFFF8000  }
0x56: {  	_ =	sfence.sel $0x180000  }
0x57: {  	s3 =	simm.s32 $0x2;
	[bflag:$0x0] =	sbarrier.arrive $0xFFFF  }
0x58: {  	[sflag:s3] =	ssyncpa.u1 $0x1  }
0x59: {  	s31 =	simm.s32 $0x1;
	[sflag:s2] =	ssyncpa.u1 $0x1  }
0x5a: {  	[sflag:s31] =	ssyncpa.u1 $0x1  }
0x5b: {  	p0 =	sne.s32 s1, $0x0;
	_ =	strace $0x90000047  }
0x5c: {  	s0 =	sadd.s32 @!p0 $0x100000, s0;
	[bflag:$0x2] =	sbarrier.arrive $0xFFFF  }
0x5d: {  	[sflag:s0] =	ssyncadd.tile.s32 @!p0 $0x1;
	_ =	shalt  }
.Lfunc_end2:
_tile_overlayer_lowered:
.L_overlay_start_2:
0x5e: {  	(tag) =	ssettag $0x2  }
0x5f: {  	s0 =	rddreg [dreg:$0x0];
	s2 =	stileid.u32  }
0x60: {  	s1 =	rddreg [dreg:$0x1];
	p0 =	sne.s32 s2, $0x0  }
0x61: {  	s3 =	rddreg [dreg:$0x2];
	[bflag:$0x3] =	sbarrier.arrive $0xFFFF;
	s2 =	simm.s32 @!p0 $0x1C01  }
0x62: {  	[timem:s3], [sflag:s2] =	dma.local @!p0 [hbm:s0], s1  }
0x63: {  	s0 =	simm.s32 @!p0 $0x1  }
0x64: {  	_ =	swait.ge @!p0 [sflag:s0], s1  }
0x65: {  	s1 =	ssub.s32 @!p0 $0x0, s1;
	[sflag:s0] =	ssyncset.done @!p0 $0x0  }
0x66: {  	[sflag:s0] =	ssyncadd.s32 @!p0 s1  }
0x67: {  	[bflag:$0x3] =	sbarrier.arrive $0xFFFF  }
0x68: {  	_ =	shalt  }

// kernel: sparse-core-data-format-call.1.cloned.1.call-start
scs
called_computation.1_lowered:
.L_overlay_start_0:
0x0: {  	s2 =	sld [smem:$0x3FD9]  }
0x1: {  	s3 =	sld [smem:$0x3FFE];
	_ =	sdelay $0x1  }
0x2: {  	s1 =	srdreg.scid  }
0x3: {  	s0 =	sand.u32 $0x1, s1  }
0x4: {  	s18 =	sshll.u32 s0, $0xA;
	s2 =	sadd.s32 s3, s2  }
0x5: {  	s2 =	sadd.s32 s2, s18  }
0x6: {  	[smem:$0x3F93] =	sst s2  }
0x7: {  	_ = 	snop  }
0x8: {  	(tm) =	ssettm $0x1  }
0x9: {  	s19 =	sld [smem:$0x3FFB];
	_ =	sdelay $0x3  }
0xa: {  	_ =	strace s19  }
0xb: {  	s2 =	sld [smem:$0x3FFC];
	_ =	sdelay $0x3  }
0xc: {  	_ =	strace s2  }
0xd: {  	s2 =	sld [smem:$0x3FFD];
	_ =	sdelay $0x3  }
0xe: {  	_ =	strace s2  }
0xf: {  	_ =	strace $0x8FFFFFFF  }
0x10: {  	s20 =	sld [smem:$0x3FDB];
	_ =	sdelay $0x1  }
0x11: {  	s21 =	simm.s32 $_scs_section_size  }
0x12: {  	s4 =	simm.s32 $_size__tile_overlayer_lowered;
	s5 =	simm.s32 $_tile_overlayer_lowered  }
0x13: {  	s6 =	simm.s32 $0x1BFF;
	s22 =	sshll.u32 s5, $0x1;
	s3 =	sadd.s32 s21, s20  }
0x14: {  	s23 =	simm.s32 $0x0;
	s4 =	sshll.u32 s4, $0x1;
	s5 =	sadd.s32 s22, s3  }
0x15: {  	[timem:s23], [sflag:s6] =	dma.local [hbm:s5], s4  }
0x16: {  	_ =	swait.ge [sflag:s6], s4  }
0x17: {  	s4 =	ssub.s32 $0x0, s4;
	[sflag:s6] =	ssyncset.done $0x0  }
0x18: {  	[sflag:s6] =	ssyncadd.s32 s4;
	_ =	sdelay $0x1  }
0x19: {  	s24 =	simm.s32 $0x1B8B  }
0x1a: {  	_ =	swait.ge [sflag:s24], $0x1  }
0x1b: {  	[sflag:s24] =	ssyncset.done $0x0  }
0x1c: {  	[sflag:s24] =	ssyncadd.s32 $0xFFFFFFFF  }
0x1d: {  	s4 =	sld [smem:$0x0]  }
0x1e: {  	s5 =	sand.u32 $0xFFFFFFFE, s1  }
0x1f: {  	p0 =	sne.s32 s1, s5  }
0x20: {  	s5 =	sshll.u32 @p0 s5, $0xE  }
0x21: {  	s5 =	sadd.s32 @p0 $0x11B8D, s5;
	s6 =	sshll.u32 @p0 s4, $0x11  }
0x22: {  	s5 =	sor.u32 @p0 s6, s5  }
0x23: {  	[sflag:s5] =	ssyncadd.remote.s32 @p0 $0x1;
	_ =	sdelay $0x1  }
0x24: {  	s5 =	simm.s32 @p0 $0x1B8D  }
0x25: {  	_ =	swait.eq @p0 [sflag:s5], $0x1  }
0x26: {  	[sflag:s5] =	ssyncadd.s32 @p0 $0xFFFFFFFF  }
0x27: {  	s6 =	sshll.u32 @!p0 s1, $0xE  }
0x28: {  	s6 =	sor.u32 @!p0 $0x4000, s6;
	s5 =	simm.s32 @!p0 $0x1B8D  }
0x29: {  	s4 =	sshll.u32 @!p0 s4, $0x11;
	s6 =	sadd.s32 @!p0 $0x11B8D, s6;
	_ =	swait.eq @!p0 [sflag:s5], $0x1  }
0x2a: {  	s4 =	sor.u32 @!p0 s4, s6;
	[sflag:s5] =	ssyncadd.s32 @!p0 $0xFFFFFFFF  }
0x2b: {  	s26 =	simm.s32 $0x1B8E;
	s25 =	sld [smem:$0x3FFE];
	[sflag:s4] =	ssyncadd.remote.s32 @!p0 $0x1  }
0x2c: {  	s27 =	simm.s32 $execute0_lowered;
	[smem:$0x3FD2] =	sst s26  }
0x2d: {  	s5 =	sshll.u32 s27, $0x1;
	_ =	strace $0x8000004C;
	[dreg:$0x1] =	wrdreg $0xFFFFFFFF  }
0x2e: {  	s28 =	simm.s32 $_size_execute0_lowered;
	s3 =	sadd.s32 s3, s5;
	[dreg:$0x0] =	wrdreg $0x0  }
0x2f: {  	s5 =	sshll.u32 s28, $0x1;
	[dreg:$0x2] =	wrdreg s3  }
0x30: {  	[dreg:$0x3] =	wrdreg s5  }
0x31: {  	[dreg:$0x4] =	wrdreg $0xC0  }
0x32: {  	_ =	task [dreg:s23], $0x5FFFF  }
0x33: {  	[dreg:$0x1] =	wrdreg $0xFFFFFFFF  }
0x34: {  	[dreg:$0x0] =	wrdreg $0x60  }
0x35: {  	[dreg:$0x2] =	wrdreg s25  }
0x36: {  	[dreg:$0x3] =	wrdreg $0xA  }
0x37: {  	_ =	task.clear_ibuf [dreg:s23], $0x4FFFF;
	_ =	strace $0x9000004C  }
0x38: {  	s29 =	simm.s32 $0xA;
	_ =	strace $0x8000004E  }
0x39: {  	_ =	swait.ge [sflag:s29], $0x1  }
0x3a: {  	[sflag:s29] =	ssyncadd.s32 $0xFFFFFFFF  }
0x3b: {  	_ =	strace $0x9000004E  }
0x3c: {  	_ =	sfence  }
0x3d: {  	s30 =	sld [smem:$0x0];
	_ =	sdelay $0x2  }
0x3e: {  	s31 =	sshll.u32 s1, $0xD;
	s1 =	sshrl.u32 s1, $0x2  }
0x3f: {  	s4 =	sand.u32 $0x4000, s31;
	s1 =	sadd.s32 s1, s30  }
0x40: {  	s0 =	sor.u32 s4, s0;
	s1 =	sshll.u32 s1, $0x11  }
0x41: {  	s0 =	sor.u32 s1, s0  }
0x42: {  	s0 =	sadd.s32 $0x8F2B, s0  }
0x43: {  	[sflag:s0] =	ssyncadd.remote.s32 $0x1  }
0x44: {  	_ =	sfence.sel $0xFFFF  }
0x45: {  	[dreg:$0x0] =	wrdreg $0xFFFFFFFF;
	(pc) =	sbr.abs _section_cstart, $3  }
0x46: {  	[dreg:$0x1] =	wrdreg $0xFFFFFFFF  }
0x47: {  	_ =	task.clear_ibuf [dreg:s23], $0x2FFFF;
	_ =	strace $0x9FFFFFFF  }
0x48: {  	(tm) =	ssettm $0x7FFFFFFF  }
0x49: {  	_ =	shalt  }
tec
execute0_lowered:
.L_overlay_start_1:
0x0: {  	(tag) =	ssettag $0x1  }
0x1: {  	s0 =	stileid.u32;
	s1 =	srdreg.scid  }
0x2: {  	s4 =	rddreg [dreg:$0x0];
	s7 =	simm.s32 $0x1;
	s31 =	simm.s32 $0x2  }
0x3: {  	s16 =	simm.s32 $0x0;
	s2 =	sshll.u32 s0, $0x4;
	s1 =	sshll.u32 s1, $0x8  }
0x4: {  	s9 =	simm.s32 $0x2000;
	s14 =	simm.s32 $0x0;
	s1 =	sor.u32 s2, s1  }
0x5: {  	s15 =	simm.s32 $0x0;
	s10 =	simm.s32 $0x0;
	s2 =	sand.u32 $0x180, s1  }
0x6: {  	s13 =	simm.s32 $0x0;
	s3 =	sadd.s32 $0x144400, s4;
	s5 =	ssub.s32 $0x400, s2  }
0x7: {  	s4 =	sadd.s32 $0x544400, s4;
	s1 =	rddreg [dreg:$0x1];
	s6 =	sand.u32 $0x180, s5  }
.Ltmp0:
0x8: {  	_ =	strace $0x8000004D;
	p0 =	sne.s32 s6, $0x0;
	(pc) =	sbr.rel .LBB1_1-.Ltmp0, $4  }
0x9: {  	s11 =	smov.u32 s2;
	s8 =	sshrl.u32 s5, $0x9;
	s7 =	simm.s32 @!p0 $0x0  }
0xa: {  	s5 =	sand.u32 $0x7, s0;
	s6 =	simm.s32 $0x1;
	s7 =	sadd.s32 s7, s8  }
0xb: {  	s12 =	smov.u32 s5;
	[sflag:s6] =	ssyncpa.u1 $0x0;
	s7 =	sshll.u32 s7, $0x5  }
0xc: {  	p0 =	por $0x0, $0x0;
	[sflag:s31] =	ssyncpa.u1 $0x0;
	s8 =	sor.u32 $0x1, s7  }
.LBB1_4:
0xd: {  	v5 =	vld [tilespmem:s20+$0xFFFFFFD0];
	[tilespmem:s19+$0x2040 ss:$0x81] =	vst.msk $0xffff, v1  }
0xe: {  	v58 =	vld [tilespmem:s20+$0xFFFFFFE0];
	[tilespmem:s19+$0x2850 ss:$0x81] =	vst.msk $0xffff, v2  }
0xf: {  	s21 =	sshra.s32 s21, $0x2;
	v59 =	vld [tilespmem:s20+$0xFFFFFFF0];
	[tilespmem:s19+$0x3060 ss:$0x81] =	vst.msk $0xffff, v3  }
0x10: {  	v60 =	vld [tilespmem:s20+$0x0];
	[tilespmem:s19+$0x0 ss:$0x81] =	vst.msk $0xffff, v0;
	s18 =	sadd.s32 s21, s18  }
0x11: {  	v61 =	vld [tilespmem:s20+$0x10];
	[tilespmem:s18+$0x3870 ss:$0x81] =	vst.msk $0xffff, v4  }
0x12: {  	v62 =	vld [tilespmem:s20+$0x20];
	s26 =	sshll.u32 s16, $0xA;
	s27 =	sshll.u32 s14, $0x3;
	[tilespmem:s18+$0x810 ss:$0x81] =	vst.msk $0xffff, v5  }
0x13: {  	v63 =	vld [tilespmem:s20+$0xFFFFFFC0];
	s29 =	sshll.u32 s16, $0x7;
	s30 =	sand.u32 $0x78, s14;
	s15 =	sshll.u32 s15, $0x13;
	[tilespmem:s18+$0x1020 ss:$0x81] =	vst.msk $0xffff, v58  }
0x14: {  	s19 =	sand.u32 $0x3FE000, s26;
	s28 =	sand.u32 $0x3FFC00, s27;
	s16 =	sand.u32 $0x380, s29;
	[tilespmem:s18+$0x1830 ss:$0x81] =	vst.msk $0xffff, v59  }
0x15: {  	s31 =	sand.u32 $0x7, s14;
	s19 =	sadd.s32 s28, s19;
	s16 =	sor.u32 s30, s16;
	[tilespmem:s18+$0x2040 ss:$0x81] =	vst.msk $0xffff, v60  }
0x16: {  	s15 =	sadd.s32 s4, s15;
	s19 =	sshrl.u32 s19, $0x3;
	s16 =	sshrl.u32 s16, $0x3;
	[tilespmem:s18+$0x2850 ss:$0x81] =	vst.msk $0xffff, v61  }
0x17: {  	s14 =	sshll.u32 s31, $0x12;
	s19 =	sand.u32 $0x7FF80, s19;
	s15 =	sadd.s32 s16, s15;
	[tilespmem:s18+$0x3060 ss:$0x81] =	vst.msk $0xffff, v62  }
0x18: {  	s14 =	sor.u32 $0x400, s14;
	[tilespmem:s18+$0x0 ss:$0x81] =	vst.msk $0xffff, v63;
	s15 =	sadd.s32 s19, s15  }
0x19: {  	[hbm4b:s15+s14] =	stream.strided.scatter [tilespmem:s17], [sflag:$0x2], $0x4000, s9, s14, $0x20;
	[tilespmem:$0x10100] =	vst v63  }
.LBB1_5:
0x1a: {  	s17 =	sadd.s32 $0x80, s10  }
0x1b: {  	s14 =	sadd.s32 $0x200, s11;
	s18 =	smov.u32 s11;
	p2 =	sgt.s32 s17, $0xFFF  }
0x1c: {  	s18 =	smov.u32 @p2 s14  }
0x1d: {  	s20 =	smov.u32 s12;
	s14 =	sadd.s32 $0x8, s12;
	p3 =	sgt.s32 s18, $0x3FF  }
0x1e: {  	s20 =	smov.u32 @p3 s14  }
0x1f: {  	s17 =	simm.s32 @p2 $0x0;
	p2 =	sgt.s32 s20, $0x7  }
0x20: {  	p1 =	slt.u32 s13, $0x2;
	s20 =	smov.u32 @p2 s5;
	p2 =	sne.s32 s13, s8  }
.Ltmp1:
0x21: {  	s19 =	simm.s32 @!p1 $0x2;
	(pc) =	sbr.rel @!p2 .LBB1_6-.Ltmp1, $4  }
0x22: {  	s16 =	smov.u32 s10;
	s15 =	smov.u32 s12;
	_ =	swait.ge @!p1 [sflag:s19], $0x4000  }
0x23: {  	p0 =	por !p0, !p0;
	[sflag:s19] =	ssyncset.done @!p1 $0x0;
	s10 =	smov.u32 s17  }
0x24: {  	s18 =	smov.u32 @p3 s2;
	s14 =	smov.u32 s11;
	[sflag:s19] =	ssyncadd.s32 @!p1 $0xFFFFC000  }
0x25: {  	s11 =	smov.u32 s18;
	s13 =	sadd.s32 $0x1, s13;
	s12 =	smov.u32 s20  }
.LBB1_1:
0x26: {  	p1 =	sge.u32 s13, s7;
	s31 =	sadd.s32 $0xFFFFFFFF, s13  }
0x27: {  	s17 =	sxor.u32 @!p1 $0xFFFFFFFF, s13;
	s18 =	sand.u32 @!p1 $0x78, s10;
	s19 =	sshll.u32 @!p1 s11, $0xC  }
0x28: {  	s20 =	sshll.u32 @!p1 s11, $0x7;
	s21 =	sshll.u32 @!p1 s10, $0x3;
	s17 =	sshll.u32 @!p1 s17, $0xE  }
0x29: {  	s19 =	sand.u32 @!p1 $0x3F8000, s19;
	s20 =	sand.u32 @!p1 $0x380, s20;
	s17 =	sand.u32 @!p1 $0x4000, s17  }
0x2a: {  	s19 =	sadd.s32 @!p1 s19, s21;
	s21 =	sand.u32 @!p1 $0xC00, s21;
	s18 =	sor.u32 @!p1 s20, s18  }
0x2b: {  	s20 =	sshll.u32 @!p1 s12, $0x13;
	s18 =	sor.u32 @!p1 s21, s18;
	s19 =	sshrl.u32 @!p1 s19, $0x3  }
0x2c: {  	s20 =	sadd.s32 @!p1 s3, s20;
	s21 =	sand.u32 @!p1 $0x7, s10;
	s19 =	sand.u32 @!p1 $0x7FE00, s19  }
0x2d: {  	s18 =	sshrl.u32 @!p1 s18, $0x3;
	s19 =	sadd.s32 @!p1 s19, s20;
	s20 =	sshll.u32 @!p1 s21, $0x12  }
0x2e: {  	s18 =	sadd.s32 @!p1 s18, s19;
	s19 =	sor.u32 @!p1 $0x400, s20;
	s20 =	simm.s32 @!p1 $0x8000  }
0x2f: {  	[tilespmem:s17], [sflag:$0x1] =	stream.strided.gather @!p1 [hbm4b:s18+s19], $0x4000, s20, s19, $0x38;
	[tilespmem:$0x10100] =	vst v63  }
0x30: {  	p1 =	sge.u32 s31, s7  }
.Ltmp2:
0x31: {  	_ = 	snop;
	(pc) =	sbr.rel @p1 .LBB1_5-.Ltmp2, $1  }
0x32: {  	_ =	sdelay $0x3  }
0x33: {  	s17 =	simm.s32 $0x1  }
0x34: {  	_ =	swait.ge [sflag:s6], $0x4000;
	s17 =	simm.s32 @!p0 $0x0  }
0x35: {  	[sflag:s6] =	ssyncset.done $0x0;
	s18 =	sshll.u32 s17, $0xE  }
0x36: {  	[sflag:s6] =	ssyncadd.s32 $0xFFFFC000;
	s20 =	sor.u32 $0x40, s18  }
0x37: {  	s17 =	smul.u32 $0x10200, s17;
	v0 =	vld [tilespmem:s20+$0x30]  }
0x38: {  	v3 =	vld [tilespmem:s20+$0xFFFFFFD0]  }
0x39: {  	s17 =	sshrl.u32 s17, $0x2;
	v4 =	vld [tilespmem:s20+$0xFFFFFFE0]  }
0x3a: {  	v5 =	vld [tilespmem:s20+$0xFFFFFFF0];
	s18 =	sor.u32 $0x8000, s17  }
0x3b: {  	s31 =	sand.u32 $0x1, s13;
	v1 =	vld [tilespmem:s20+$0x0];
	s19 =	sadd.s32 $0x0, s18  }
0x3c: {  	v2 =	vld [tilespmem:s20+$0x10];
	s17 =	smul.u32 $0x10200, s31;
	[tilespmem:s19+$0x3870 ss:$0x81] =	vst.msk $0xffff, v0  }
0x3d: {  	[tilespmem:s19+$0x810 ss:$0x81] =	vst.msk $0xffff, v3;
	v3 =	vld [tilespmem:s20+$0x20]  }
0x3e: {  	s17 =	sshrl.u32 s17, $0x2;
	v0 =	vld [tilespmem:s20+$0xFFFFFFC0];
	[tilespmem:s19+$0x1020 ss:$0x81] =	vst.msk $0xffff, v4;
	s20 =	sadd.s32 $0x80, s20  }
0x3f: {  	s21 =	simm.s32 $0x4;
	s22 =	simm.s32 $0x8;
	s17 =	sor.u32 $0x8000, s17;
	[tilespmem:s19+$0x1830 ss:$0x81] =	vst.msk $0xffff, v5;
	v4 =	vld [tilespmem:s20+$0x30]  }
.LBB1_3:
0x40: {  	p1 =	sne.s32 s22, $0x1FC;
	v5 =	vld [tilespmem:s20+$0xFFFFFFD0];
	[tilespmem:s19+$0x2040 ss:$0x81] =	vst.msk $0xffff, v1  }
0x41: {  	v6 =	vld [tilespmem:s20+$0xFFFFFFE0];
	[tilespmem:s19+$0x2850 ss:$0x81] =	vst.msk $0xffff, v2  }
0x42: {  	s23 =	sshra.s32 s21, $0x2;
	s21 =	smov.u32 s22;
	v7 =	vld [tilespmem:s20+$0xFFFFFFF0];
	[tilespmem:s19+$0x3060 ss:$0x81] =	vst.msk $0xffff, v3  }
.Ltmp3:
0x43: {  	v1 =	vld [tilespmem:s20+$0x0];
	[tilespmem:s19+$0x0 ss:$0x81] =	vst.msk $0xffff, v0;
	s19 =	sadd.s32 s23, s18;
	(pc) =	sbr.rel @p1 .LBB1_3-.Ltmp3, $4  }
0x44: {  	v2 =	vld [tilespmem:s20+$0x10];
	[tilespmem:s19+$0x3870 ss:$0x81] =	vst.msk $0xffff, v4  }
0x45: {  	[tilespmem:s19+$0x810 ss:$0x81] =	vst.msk $0xffff, v5;
	v3 =	vld [tilespmem:s20+$0x20]  }
0x46: {  	v0 =	vld [tilespmem:s20+$0xFFFFFFC0];
	[tilespmem:s19+$0x1020 ss:$0x81] =	vst.msk $0xffff, v6;
	s20 =	sadd.s32 $0x80, s20  }
0x47: {  	s22 =	sadd.s32 $0x4, s22;
	v4 =	vld [tilespmem:s20+$0x30];
	[tilespmem:s19+$0x1830 ss:$0x81] =	vst.msk $0xffff, v7  }
.Ltmp4:
0x48: {  	_ = 	snop;
	(pc) =	sbr.rel .LBB1_4-.Ltmp4, $1  }
0x49: {  	_ =	sdelay $0x3  }
.LBB1_6:
0x4a: {  	_ =	sfence.sel $0x180000  }
0x4b: {  	s2 =	simm.s32 $0x1;
	[bflag:$0x0] =	sbarrier.arrive $0xFFFF  }
0x4c: {  	s31 =	simm.s32 $0x2;
	[sflag:s2] =	ssyncpa.u1 $0x1  }
0x4d: {  	[sflag:s31] =	ssyncpa.u1 $0x1  }
0x4e: {  	p0 =	sne.s32 s0, $0x0;
	_ =	strace $0x9000004D  }
0x4f: {  	s0 =	sadd.s32 @!p0 $0x100000, s1;
	[bflag:$0x2] =	sbarrier.arrive $0xFFFF  }
0x50: {  	[sflag:s0] =	ssyncadd.tile.s32 @!p0 $0x1;
	_ =	shalt  }
.Lfunc_end1:
_tile_overlayer_lowered:
.L_overlay_start_2:
0x51: {  	(tag) =	ssettag $0x2  }
0x52: {  	s0 =	rddreg [dreg:$0x0];
	s2 =	stileid.u32  }
0x53: {  	s1 =	rddreg [dreg:$0x1];
	p0 =	sne.s32 s2, $0x0  }
0x54: {  	s3 =	rddreg [dreg:$0x2];
	[bflag:$0x3] =	sbarrier.arrive $0xFFFF;
	s2 =	simm.s32 @!p0 $0x1C01  }
0x55: {  	[timem:s3], [sflag:s2] =	dma.local @!p0 [hbm:s0], s1  }
0x56: {  	s0 =	simm.s32 @!p0 $0x1  }
0x57: {  	_ =	swait.ge @!p0 [sflag:s0], s1  }
0x58: {  	s1 =	ssub.s32 @!p0 $0x0, s1;
	[sflag:s0] =	ssyncset.done @!p0 $0x0  }
0x59: {  	[sflag:s0] =	ssyncadd.s32 @!p0 s1  }
0x5a: {  	[bflag:$0x3] =	sbarrier.arrive $0xFFFF  }
0x5b: {  	_ =	shalt  }

// kernel: sparse-core-data-format-call.cloned.1.call-start
scs
called_computation_lowered:
.L_overlay_start_0:
0x0: {  	s2 =	sld [smem:$0x3FD9]  }
0x1: {  	s3 =	sld [smem:$0x3FFE];
	_ =	sdelay $0x1  }
0x2: {  	s1 =	srdreg.scid  }
0x3: {  	s0 =	sand.u32 $0x1, s1  }
0x4: {  	s18 =	sshll.u32 s0, $0xA;
	s2 =	sadd.s32 s3, s2  }
0x5: {  	s2 =	sadd.s32 s2, s18  }
0x6: {  	[smem:$0x3F93] =	sst s2  }
0x7: {  	_ = 	snop  }
0x8: {  	(tm) =	ssettm $0x1  }
0x9: {  	s19 =	sld [smem:$0x3FFB];
	_ =	sdelay $0x3  }
0xa: {  	_ =	strace s19  }
0xb: {  	s2 =	sld [smem:$0x3FFC];
	_ =	sdelay $0x3  }
0xc: {  	_ =	strace s2  }
0xd: {  	s2 =	sld [smem:$0x3FFD];
	_ =	sdelay $0x3  }
0xe: {  	_ =	strace s2  }
0xf: {  	_ =	strace $0x8FFFFFFF  }
0x10: {  	s20 =	sld [smem:$0x3FDB];
	_ =	sdelay $0x1  }
0x11: {  	s21 =	simm.s32 $_scs_section_size  }
0x12: {  	s4 =	simm.s32 $_size__tile_overlayer_lowered;
	s5 =	simm.s32 $_tile_overlayer_lowered  }
0x13: {  	s6 =	simm.s32 $0x1BFF;
	s22 =	sshll.u32 s5, $0x1;
	s3 =	sadd.s32 s21, s20  }
0x14: {  	s23 =	simm.s32 $0x0;
	s4 =	sshll.u32 s4, $0x1;
	s5 =	sadd.s32 s22, s3  }
0x15: {  	[timem:s23], [sflag:s6] =	dma.local [hbm:s5], s4  }
0x16: {  	_ =	swait.ge [sflag:s6], s4  }
0x17: {  	s4 =	ssub.s32 $0x0, s4;
	[sflag:s6] =	ssyncset.done $0x0  }
0x18: {  	[sflag:s6] =	ssyncadd.s32 s4;
	_ =	sdelay $0x1  }
0x19: {  	s24 =	simm.s32 $0x1B8B  }
0x1a: {  	_ =	swait.ge [sflag:s24], $0x1  }
0x1b: {  	[sflag:s24] =	ssyncset.done $0x0  }
0x1c: {  	[sflag:s24] =	ssyncadd.s32 $0xFFFFFFFF  }
0x1d: {  	s4 =	sld [smem:$0x0]  }
0x1e: {  	s5 =	sand.u32 $0xFFFFFFFE, s1  }
0x1f: {  	p0 =	sne.s32 s1, s5  }
0x20: {  	s5 =	sshll.u32 @p0 s5, $0xE  }
0x21: {  	s5 =	sadd.s32 @p0 $0x11B8D, s5;
	s6 =	sshll.u32 @p0 s4, $0x11  }
0x22: {  	s5 =	sor.u32 @p0 s6, s5  }
0x23: {  	[sflag:s5] =	ssyncadd.remote.s32 @p0 $0x1;
	_ =	sdelay $0x1  }
0x24: {  	s5 =	simm.s32 @p0 $0x1B8D  }
0x25: {  	_ =	swait.eq @p0 [sflag:s5], $0x1  }
0x26: {  	[sflag:s5] =	ssyncadd.s32 @p0 $0xFFFFFFFF  }
0x27: {  	s6 =	sshll.u32 @!p0 s1, $0xE  }
0x28: {  	s6 =	sor.u32 @!p0 $0x4000, s6;
	s5 =	simm.s32 @!p0 $0x1B8D  }
0x29: {  	s4 =	sshll.u32 @!p0 s4, $0x11;
	s6 =	sadd.s32 @!p0 $0x11B8D, s6;
	_ =	swait.eq @!p0 [sflag:s5], $0x1  }
0x2a: {  	s4 =	sor.u32 @!p0 s4, s6;
	[sflag:s5] =	ssyncadd.s32 @!p0 $0xFFFFFFFF  }
0x2b: {  	s26 =	simm.s32 $0x1B8E;
	s25 =	sld [smem:$0x3FFE];
	[sflag:s4] =	ssyncadd.remote.s32 @!p0 $0x1  }
0x2c: {  	s27 =	simm.s32 $execute0_lowered;
	[smem:$0x3FD2] =	sst s26  }
0x2d: {  	s5 =	sshll.u32 s27, $0x1;
	_ =	strace $0x8000004F;
	[dreg:$0x1] =	wrdreg $0xFFFFFFFF  }
0x2e: {  	s28 =	simm.s32 $_size_execute0_lowered;
	s3 =	sadd.s32 s3, s5;
	[dreg:$0x0] =	wrdreg $0x0  }
0x2f: {  	s5 =	sshll.u32 s28, $0x1;
	[dreg:$0x2] =	wrdreg s3  }
0x30: {  	[dreg:$0x3] =	wrdreg s5  }
0x31: {  	[dreg:$0x4] =	wrdreg $0xC0  }
0x32: {  	_ =	task [dreg:s23], $0x5FFFF  }
0x33: {  	[dreg:$0x1] =	wrdreg $0xFFFFFFFF  }
0x34: {  	[dreg:$0x0] =	wrdreg $0x60  }
0x35: {  	[dreg:$0x2] =	wrdreg s25  }
0x36: {  	[dreg:$0x3] =	wrdreg $0x9  }
0x37: {  	_ =	task.clear_ibuf [dreg:s23], $0x4FFFF;
	_ =	strace $0x9000004F  }
0x38: {  	s29 =	simm.s32 $0x9;
	_ =	strace $0x80000051  }
0x39: {  	_ =	swait.ge [sflag:s29], $0x1  }
0x3a: {  	[sflag:s29] =	ssyncadd.s32 $0xFFFFFFFF  }
0x3b: {  	_ =	strace $0x90000051  }
0x3c: {  	_ =	sfence  }
0x3d: {  	s30 =	sld [smem:$0x0];
	_ =	sdelay $0x2  }
0x3e: {  	s31 =	sshll.u32 s1, $0xD;
	s1 =	sshrl.u32 s1, $0x2  }
0x3f: {  	s4 =	sand.u32 $0x4000, s31;
	s1 =	sadd.s32 s1, s30  }
0x40: {  	s0 =	sor.u32 s4, s0;
	s1 =	sshll.u32 s1, $0x11  }
0x41: {  	s0 =	sor.u32 s1, s0  }
0x42: {  	s0 =	sadd.s32 $0x8F2B, s0  }
0x43: {  	[sflag:s0] =	ssyncadd.remote.s32 $0x1  }
0x44: {  	_ =	sfence.sel $0xFFFF  }
0x45: {  	[dreg:$0x0] =	wrdreg $0xFFFFFFFF;
	(pc) =	sbr.abs _section_cstart, $3  }
0x46: {  	[dreg:$0x1] =	wrdreg $0xFFFFFFFF  }
0x47: {  	_ =	task.clear_ibuf [dreg:s23], $0x2FFFF;
	_ =	strace $0x9FFFFFFF  }
0x48: {  	(tm) =	ssettm $0x7FFFFFFF  }
0x49: {  	_ =	shalt  }
tec
execute0_lowered:
.L_overlay_start_1:
0x0: {  	(tag) =	ssettag $0x1  }
0x1: {  	s0 =	stileid.u32;
	s1 =	srdreg.scid  }
0x2: {  	s4 =	rddreg [dreg:$0x0];
	s7 =	simm.s32 $0x1;
	s31 =	simm.s32 $0x2  }
0x3: {  	s16 =	simm.s32 $0x0;
	s2 =	sshll.u32 s0, $0x4;
	s1 =	sshll.u32 s1, $0x8  }
0x4: {  	s9 =	simm.s32 $0x8000;
	s14 =	simm.s32 $0x0;
	s1 =	sor.u32 s2, s1  }
0x5: {  	s15 =	simm.s32 $0x0;
	s10 =	simm.s32 $0x0;
	s2 =	sand.u32 $0x180, s1  }
0x6: {  	s13 =	simm.s32 $0x0;
	s3 =	sadd.s32 $0x944400, s4;
	s5 =	ssub.s32 $0x1000, s2  }
0x7: {  	s4 =	sadd.s32 $0xD44400, s4;
	s1 =	rddreg [dreg:$0x1];
	s6 =	sand.u32 $0x180, s5  }
.Ltmp0:
0x8: {  	_ =	strace $0x80000050;
	p0 =	sne.s32 s6, $0x0;
	(pc) =	sbr.rel .LBB1_1-.Ltmp0, $4  }
0x9: {  	s11 =	smov.u32 s2;
	s8 =	sshrl.u32 s5, $0x9;
	s7 =	simm.s32 @!p0 $0x0  }
0xa: {  	s5 =	sand.u32 $0x7, s0;
	s6 =	simm.s32 $0x1;
	s7 =	sadd.s32 s7, s8  }
0xb: {  	s12 =	smov.u32 s5;
	[sflag:s6] =	ssyncpa.u1 $0x0;
	s7 =	sshll.u32 s7, $0x3  }
0xc: {  	p0 =	por $0x0, $0x0;
	[sflag:s31] =	ssyncpa.u1 $0x0;
	s8 =	sor.u32 $0x1, s7  }
.LBB1_4:
0xd: {  	v5 =	vld [tilespmem:s19+$0xFFFFFFD0]  }
0xe: {  	[tilespmem:s20+$0x2040 ss:$0x81] =	vst.msk $0xffff, v1;
	v58 =	vld [tilespmem:s19+$0xFFFFFFE0]  }
0xf: {  	[tilespmem:s20+$0x2850 ss:$0x81] =	vst.msk $0xffff, v2;
	v59 =	vld [tilespmem:s19+$0xFFFFFFF0]  }
0x10: {  	s21 =	sshra.s32 s21, $0x2;
	[tilespmem:s20+$0x3060 ss:$0x81] =	vst.msk $0xffff, v3;
	v60 =	vld [tilespmem:s19+$0x0]  }
0x11: {  	[tilespmem:s20+$0x0 ss:$0x81] =	vst.msk $0xffff, v0;
	v61 =	vld [tilespmem:s19+$0x10];
	s18 =	sadd.s32 s21, s18  }
0x12: {  	s26 =	sshll.u32 s16, $0xC;
	v62 =	vld [tilespmem:s19+$0x20];
	[tilespmem:s18+$0x3870 ss:$0x81] =	vst.msk $0xffff, v4  }
0x13: {  	s27 =	sand.u32 $0x78, s14;
	s22 =	sshll.u32 s14, $0x3;
	v63 =	vld [tilespmem:s19+$0xFFFFFFC0];
	s29 =	sshll.u32 s16, $0x7;
	[tilespmem:s18+$0x810 ss:$0x81] =	vst.msk $0xffff, v5  }
0x14: {  	s15 =	sshll.u32 s15, $0x13;
	s20 =	sand.u32 $0x3F8000, s26;
	s28 =	sand.u32 $0x3FFC00, s22;
	[tilespmem:s18+$0x1020 ss:$0x81] =	vst.msk $0xffff, v58  }
0x15: {  	s31 =	sand.u32 $0x7, s14;
	s22 =	sand.u32 $0xC00, s22;
	s19 =	sadd.s32 s28, s20;
	[tilespmem:s18+$0x1830 ss:$0x81] =	vst.msk $0xffff, v59  }
0x16: {  	s16 =	sand.u32 $0x380, s29;
	s30 =	sor.u32 s27, s22;
	s19 =	sshrl.u32 s19, $0x3;
	[tilespmem:s18+$0x2040 ss:$0x81] =	vst.msk $0xffff, v60  }
0x17: {  	s15 =	sadd.s32 s4, s15;
	s16 =	sor.u32 s16, s30;
	s19 =	sand.u32 $0x7FE00, s19;
	[tilespmem:s18+$0x2850 ss:$0x81] =	vst.msk $0xffff, v61  }
0x18: {  	s14 =	sshll.u32 s31, $0x12;
	s16 =	sshrl.u32 s16, $0x3;
	[tilespmem:s18+$0x3060 ss:$0x81] =	vst.msk $0xffff, v62;
	s15 =	sadd.s32 s19, s15  }
0x19: {  	s14 =	sor.u32 $0x400, s14;
	[tilespmem:s18+$0x0 ss:$0x81] =	vst.msk $0xffff, v63;
	s15 =	sadd.s32 s16, s15  }
0x1a: {  	[hbm4b:s15+s14] =	stream.strided.scatter [tilespmem:s17], [sflag:$0x2], $0x4000, s9, s14, $0x20;
	[tilespmem:$0x10100] =	vst v63  }
.LBB1_5:
0x1b: {  	s17 =	sadd.s32 $0x80, s10  }
0x1c: {  	s14 =	sadd.s32 $0x200, s11;
	s18 =	smov.u32 s11;
	p2 =	sgt.s32 s17, $0x3FF  }
0x1d: {  	s18 =	smov.u32 @p2 s14  }
0x1e: {  	s20 =	smov.u32 s12;
	s14 =	sadd.s32 $0x8, s12;
	p3 =	sgt.s32 s18, $0xFFF  }
0x1f: {  	s20 =	smov.u32 @p3 s14  }
0x20: {  	s17 =	simm.s32 @p2 $0x0;
	p2 =	sgt.s32 s20, $0x7  }
0x21: {  	p1 =	slt.u32 s13, $0x2;
	s20 =	smov.u32 @p2 s5;
	p2 =	sne.s32 s13, s8  }
.Ltmp1:
0x22: {  	s19 =	simm.s32 @!p1 $0x2;
	(pc) =	sbr.rel @!p2 .LBB1_6-.Ltmp1, $4  }
0x23: {  	s16 =	smov.u32 s10;
	s15 =	smov.u32 s12;
	_ =	swait.ge @!p1 [sflag:s19], $0x4000  }
0x24: {  	p0 =	por !p0, !p0;
	[sflag:s19] =	ssyncset.done @!p1 $0x0;
	s10 =	smov.u32 s17  }
0x25: {  	s18 =	smov.u32 @p3 s2;
	s14 =	smov.u32 s11;
	[sflag:s19] =	ssyncadd.s32 @!p1 $0xFFFFC000  }
0x26: {  	s11 =	smov.u32 s18;
	s13 =	sadd.s32 $0x1, s13;
	s12 =	smov.u32 s20  }
.LBB1_1:
0x27: {  	p1 =	sge.u32 s13, s7  }
0x28: {  	s31 =	sadd.s32 $0xFFFFFFFF, s13;
	s17 =	sshll.u32 @!p1 s11, $0x7  }
0x29: {  	s18 =	sxor.u32 @!p1 $0xFFFFFFFF, s13;
	s19 =	sand.u32 @!p1 $0x78, s10;
	s20 =	sand.u32 @!p1 $0x380, s17  }
0x2a: {  	s18 =	sshll.u32 @!p1 s18, $0xE;
	s19 =	sor.u32 @!p1 s19, s20;
	s20 =	sshll.u32 @!p1 s12, $0x13  }
0x2b: {  	s17 =	sand.u32 @!p1 $0x7FC00, s17;
	s19 =	sshrl.u32 @!p1 s19, $0x3;
	s20 =	sadd.s32 @!p1 s3, s20  }
0x2c: {  	s17 =	sadd.s32 @!p1 s10, s17;
	s19 =	sadd.s32 @!p1 s19, s20;
	s20 =	sand.u32 @!p1 $0x7, s10  }
0x2d: {  	s18 =	sand.u32 @!p1 $0x4000, s18;
	s17 =	sand.u32 @!p1 $0x7FF80, s17;
	s20 =	sshll.u32 @!p1 s20, $0x12  }
0x2e: {  	s17 =	sadd.s32 @!p1 s17, s19;
	s19 =	sor.u32 @!p1 $0x400, s20;
	s20 =	simm.s32 @!p1 $0x2000  }
0x2f: {  	[tilespmem:s18], [sflag:$0x1] =	stream.strided.gather @!p1 [hbm4b:s17+s19], $0x4000, s20, s19, $0x38;
	[tilespmem:$0x10100] =	vst v63  }
0x30: {  	p1 =	sge.u32 s31, s7  }
.Ltmp2:
0x31: {  	_ = 	snop;
	(pc) =	sbr.rel @p1 .LBB1_5-.Ltmp2, $1  }
0x32: {  	_ =	sdelay $0x3  }
0x33: {  	s17 =	simm.s32 $0x1  }
0x34: {  	_ =	swait.ge [sflag:s6], $0x4000;
	s17 =	simm.s32 @!p0 $0x0  }
0x35: {  	[sflag:s6] =	ssyncset.done $0x0;
	s18 =	sshll.u32 s17, $0xE  }
0x36: {  	[sflag:s6] =	ssyncadd.s32 $0xFFFFC000;
	s19 =	sor.u32 $0x40, s18  }
0x37: {  	s17 =	smul.u32 $0x10200, s17;
	v0 =	vld [tilespmem:s19+$0x30]  }
0x38: {  	v3 =	vld [tilespmem:s19+$0xFFFFFFD0]  }
0x39: {  	s17 =	sshrl.u32 s17, $0x2;
	v4 =	vld [tilespmem:s19+$0xFFFFFFE0]  }
0x3a: {  	v5 =	vld [tilespmem:s19+$0xFFFFFFF0];
	s18 =	sor.u32 $0x8000, s17  }
0x3b: {  	s31 =	sand.u32 $0x1, s13;
	v1 =	vld [tilespmem:s19+$0x0];
	s20 =	sadd.s32 $0x0, s18  }
0x3c: {  	v2 =	vld [tilespmem:s19+$0x10];
	s17 =	smul.u32 $0x10200, s31;
	[tilespmem:s20+$0x3870 ss:$0x81] =	vst.msk $0xffff, v0  }
0x3d: {  	[tilespmem:s20+$0x810 ss:$0x81] =	vst.msk $0xffff, v3;
	v3 =	vld [tilespmem:s19+$0x20]  }
0x3e: {  	s17 =	sshrl.u32 s17, $0x2;
	v0 =	vld [tilespmem:s19+$0xFFFFFFC0];
	[tilespmem:s20+$0x1020 ss:$0x81] =	vst.msk $0xffff, v4;
	s19 =	sadd.s32 $0x80, s19  }
0x3f: {  	s21 =	simm.s32 $0x4;
	s22 =	simm.s32 $0x8;
	s17 =	sor.u32 $0x8000, s17;
	[tilespmem:s20+$0x1830 ss:$0x81] =	vst.msk $0xffff, v5;
	v4 =	vld [tilespmem:s19+$0x30]  }
.LBB1_3:
0x40: {  	p1 =	sne.s32 s22, $0x1FC;
	v5 =	vld [tilespmem:s19+$0xFFFFFFD0];
	[tilespmem:s20+$0x2040 ss:$0x81] =	vst.msk $0xffff, v1  }
0x41: {  	v6 =	vld [tilespmem:s19+$0xFFFFFFE0];
	[tilespmem:s20+$0x2850 ss:$0x81] =	vst.msk $0xffff, v2  }
0x42: {  	s23 =	sshra.s32 s21, $0x2;
	s21 =	smov.u32 s22;
	v7 =	vld [tilespmem:s19+$0xFFFFFFF0];
	[tilespmem:s20+$0x3060 ss:$0x81] =	vst.msk $0xffff, v3  }
.Ltmp3:
0x43: {  	v1 =	vld [tilespmem:s19+$0x0];
	[tilespmem:s20+$0x0 ss:$0x81] =	vst.msk $0xffff, v0;
	s20 =	sadd.s32 s23, s18;
	(pc) =	sbr.rel @p1 .LBB1_3-.Ltmp3, $4  }
0x44: {  	v2 =	vld [tilespmem:s19+$0x10];
	[tilespmem:s20+$0x3870 ss:$0x81] =	vst.msk $0xffff, v4  }
0x45: {  	[tilespmem:s20+$0x810 ss:$0x81] =	vst.msk $0xffff, v5;
	v3 =	vld [tilespmem:s19+$0x20]  }
0x46: {  	v0 =	vld [tilespmem:s19+$0xFFFFFFC0];
	[tilespmem:s20+$0x1020 ss:$0x81] =	vst.msk $0xffff, v6;
	s19 =	sadd.s32 $0x80, s19  }
0x47: {  	s22 =	sadd.s32 $0x4, s22;
	v4 =	vld [tilespmem:s19+$0x30];
	[tilespmem:s20+$0x1830 ss:$0x81] =	vst.msk $0xffff, v7  }
.Ltmp4:
0x48: {  	_ = 	snop;
	(pc) =	sbr.rel .LBB1_4-.Ltmp4, $1  }
0x49: {  	_ =	sdelay $0x3  }
.LBB1_6:
0x4a: {  	_ =	sfence.sel $0x180000  }
0x4b: {  	s2 =	simm.s32 $0x1;
	[bflag:$0x0] =	sbarrier.arrive $0xFFFF  }
0x4c: {  	s31 =	simm.s32 $0x2;
	[sflag:s2] =	ssyncpa.u1 $0x1  }
0x4d: {  	[sflag:s31] =	ssyncpa.u1 $0x1  }
0x4e: {  	p0 =	sne.s32 s0, $0x0;
	_ =	strace $0x90000050  }
0x4f: {  	s0 =	sadd.s32 @!p0 $0x100000, s1;
	[bflag:$0x2] =	sbarrier.arrive $0xFFFF  }
0x50: {  	[sflag:s0] =	ssyncadd.tile.s32 @!p0 $0x1;
	_ =	shalt  }
.Lfunc_end1:
_tile_overlayer_lowered:
.L_overlay_start_2:
0x51: {  	(tag) =	ssettag $0x2  }
0x52: {  	s0 =	rddreg [dreg:$0x0];
	s2 =	stileid.u32  }
0x53: {  	s1 =	rddreg [dreg:$0x1];
	p0 =	sne.s32 s2, $0x0  }
0x54: {  	s3 =	rddreg [dreg:$0x2];
	[bflag:$0x3] =	sbarrier.arrive $0xFFFF;
	s2 =	simm.s32 @!p0 $0x1C01  }
0x55: {  	[timem:s3], [sflag:s2] =	dma.local @!p0 [hbm:s0], s1  }
0x56: {  	s0 =	simm.s32 @!p0 $0x1  }
0x57: {  	_ =	swait.ge @!p0 [sflag:s0], s1  }
0x58: {  	s1 =	ssub.s32 @!p0 $0x0, s1;
	[sflag:s0] =	ssyncset.done @!p0 $0x0  }
0x59: {  	[sflag:s0] =	ssyncadd.s32 @!p0 s1  }
0x5a: {  	[bflag:$0x3] =	sbarrier.arrive $0xFFFF  }
0x5b: {  	_ =	shalt  }

</sc_bundles>
